<compile_context>
chip_gen: v7x
topology: tpu7x:2x2x1
jax: 0.10.2.dev20260603
libtpu: 0.0.44.dev20260713+nightly
codegen_flags: <defaults>
</compile_context>

<pallas_src>
import functools

import jax
import jax.numpy as jnp
from jax import lax
from jax.experimental import pallas as pl
from jax.experimental.pallas import tpu as pltpu
from jax.experimental.pallas import tpu_sc as plsc

NC = 2
NS = 16
NW = NC * NS
L = 16


def _make_sc_kernel(B, F, V):
    rows_pt = B // NW
    assert rows_pt % 128 == 0
    cpf = rows_pt // 128
    nchunk = F * cpf
    groups = rows_pt // L

    mesh = plsc.VectorSubcoreMesh(core_axis_name="c", subcore_axis_name="s")

    slab = (V // NS) & ~63
    tail0 = V - NS * slab

    @functools.partial(
        pl.kernel,
        out_type=jax.ShapeDtypeStruct((B,), jnp.float32),
        mesh=mesh,
        scratch_types=[
            pltpu.VMEM_SHARED((V,), jnp.float32),
            pltpu.VMEM((slab // 8,), jnp.float32),
            pltpu.VMEM((slab // 8,), jnp.float32),
            pltpu.VMEM((F, rows_pt), jnp.int32),
            pltpu.VMEM((F, rows_pt), jnp.float32),
            pltpu.VMEM((F, rows_pt), jnp.float32),
            pltpu.VMEM((L,), jnp.float32),
            pltpu.VMEM((rows_pt,), jnp.float32),
            pltpu.SemaphoreType.DMA,
        ],
    )
    def sc_kernel(w_hbm, ids_hbm, vals_hbm, bias_hbm, out_hbm,
                  spw, bounce, bounce2, idx_v, vals_v, wg_v, bias_v, out_v, sem):
        cid = lax.axis_index("c")
        sid = lax.axis_index("s")
        wid = sid * NC + cid
        b0 = wid * rows_pt

        s0 = sid * slab
        q = slab // 8
        bufs = (bounce, bounce2)
        pltpu.async_copy(w_hbm.at[pl.ds(s0, q)], bounce, sem)
        pltpu.async_copy(w_hbm.at[pl.ds(s0 + q, q)], bounce2, sem)
        pltpu.sync_copy(ids_hbm.at[:, pl.ds(b0, rows_pt)], idx_v)
        pltpu.sync_copy(vals_hbm.at[:, pl.ds(b0, rows_pt)], vals_v)
        pltpu.sync_copy(bias_hbm, bias_v)
        for r in range(8):
            buf = bufs[r % 2]
            pltpu.make_async_copy(w_hbm.at[pl.ds(s0 + r * q, q)], buf, sem).wait()
            pltpu.sync_copy(buf, spw.at[pl.ds(s0 + r * q, q)])
            if r + 2 < 8:
                pltpu.async_copy(w_hbm.at[pl.ds(s0 + (r + 2) * q, q)], buf, sem)

        if tail0:
            @pl.when(sid == 0)
            def _():
                pltpu.async_copy(w_hbm.at[pl.ds(NS * slab, tail0)],
                                 bounce.at[pl.ds(0, tail0)], sem).wait()
                pltpu.sync_copy(bounce.at[pl.ds(0, tail0)],
                                spw.at[pl.ds(NS * slab, tail0)])

        plsc.subcore_barrier()

        def fire(f, carry):
            for k in range(cpf):
                c = k * 128
                pltpu.async_copy(
                    spw.at[idx_v.at[f, pl.ds(c, 128)]],
                    wg_v.at[f, pl.ds(c, 128)], sem)
            return carry

        lax.fori_loop(0, F, fire, 0)

        def drain(f, carry):
            for k in range(cpf):
                c = k * 128
                pltpu.make_async_copy(
                    spw.at[idx_v.at[f, pl.ds(c, 128)]],
                    wg_v.at[f, pl.ds(c, 128)], sem).wait()
            return carry

        lax.fori_loop(0, F, drain, 0)

        bias_vec = bias_v[...]

        def group(g, carry):
            o = g * L
            acc = bias_vec
            for f in range(F):
                acc = acc + wg_v[f, pl.ds(o, L)] * vals_v[f, pl.ds(o, L)]
            out_v[pl.ds(o, L)] = acc
            return carry

        lax.fori_loop(0, groups, group, 0)

        pltpu.sync_copy(out_v, out_hbm.at[pl.ds(b0, rows_pt)])

    return sc_kernel


def kernel(ids, vals, weight, bias):
    B, F = ids.shape
    V = weight.shape[0]
    pad = (-V) % 1024
    w_flat = jnp.pad(weight, ((0, pad), (0, 0))).reshape(-1)
    ids_t = ids.T
    vals_t = vals.T
    bias16 = jnp.broadcast_to(bias.astype(jnp.float32), (L,))
    sc = _make_sc_kernel(B, F, V + pad)
    return sc(w_flat, ids_t, vals_t, bias16)

# --- scband reference (transcript-rebuilt; emitter-appended) ---
"""Pipeline reference for scband-linear-19327352832627 (READ-ONLY COPY).

The authoritative reference and input builder live on the scoring server;
editing this copy changes nothing except your own understanding.
"""

import jax, jax.numpy as jnp
import numpy as np

NFEAT = 1000000
B = 16384
F = 26


def setup_inputs(seed: int = 0) -> dict:
    key = jax.random.key(seed)
    k_ids, k_vals, k_w = jax.random.split(key, 3)
    ids = jax.random.randint(k_ids, (B, F), 0, NFEAT, dtype=jnp.int64 if jax.config.jax_enable_x64 else jnp.int32).astype(jnp.int32)
    vals = jax.random.uniform(k_vals, (B, F), dtype=jnp.float32)
    # nn.Embedding default init: N(0, 1)
    weight = jax.random.normal(k_w, (NFEAT, 1), dtype=jnp.float32)
    bias = jnp.zeros((1,), dtype=jnp.float32)
    return {"ids": ids, "vals": vals, "weight": weight, "bias": bias}


def reference(ids, vals, weight, bias):
    # linear = self.weight(x['ids']).squeeze(2) * x['vals']  -> [B, F]
    emb = jnp.take(weight, ids, axis=0)          # [B, F, 1]
    linear = jnp.squeeze(emb, axis=2) * vals     # [B, F]
    # torch.sum(linear, dim=1) + self.bias -> broadcasts to [B]
    return jnp.sum(linear, axis=1) + bias        # [B]

if __name__ == "__main__":
    import jax
    _d = setup_inputs()
    print(jax.jit(kernel)(*tuple(_d.values())))

</pallas_src>

<mosaic_0001>
#map = affine_map<(d0, d1) -> (0)>
#map1 = affine_map<(d0, d1) -> (0, 0)>
module attributes {stable_mosaic.version = 14 : i64} {
  func.func @sc_kernel(%arg0: i32, %arg1: i32, %arg2: memref<1000448xf32, #tpu.memory_space<hbm>>, %arg3: memref<26x16384xi32, #tpu.memory_space<hbm>>, %arg4: memref<26x16384xf32, #tpu.memory_space<hbm>>, %arg5: memref<16xf32, #tpu.memory_space<hbm>>, %arg6: memref<16384xf32, #tpu.memory_space<hbm>>, %arg7: memref<1000448xf32, #tpu.memory_space<vmem_shared>>, %arg8: memref<7816xf32, #tpu.memory_space<vmem>>, %arg9: memref<7816xf32, #tpu.memory_space<vmem>>, %arg10: memref<26x512xi32, #tpu.memory_space<vmem>>, %arg11: memref<26x512xf32, #tpu.memory_space<vmem>>, %arg12: memref<26x512xf32, #tpu.memory_space<vmem>>, %arg13: memref<16xf32, #tpu.memory_space<vmem>>, %arg14: memref<512xf32, #tpu.memory_space<vmem>>, %arg15: memref<!tpu.dma_semaphore, #tpu.memory_space<semaphore_mem>>) attributes {dimension_semantics = [#tpu.dimension_semantics<core_parallel>, #tpu.dimension_semantics<subcore_parallel>], iteration_bounds = array<i64: 2, 16>, scalar_prefetch = 0 : i64, scratch_operands = 9 : i64, tpu.core_type = #tpu.core_type<sc_vector_subcore>, window_params = [{transform_indices = #map}, {transform_indices = #map1}, {transform_indices = #map1}, {transform_indices = #map}, {transform_indices = #map}]} {
    %mul3A = arith.constant 2 : i32
    %mul3A_0 = arith.muli %arg1, %mul3A : i32
    %add3A = arith.addi %mul3A_0, %arg0 : i32
    %mul3A_1 = arith.constant 512 : i32
    %mul3A_2 = arith.muli %add3A, %mul3A_1 : i32
    %mul3A_3 = arith.constant 62528 : i32
    %mul3A_4 = arith.muli %arg1, %mul3A_3 : i32
    %dma_start3A = tpu.memref_slice %arg2[%mul3A_4] : memref<1000448xf32, #tpu.memory_space<hbm>> -> memref<7816xf32, #tpu.memory_space<hbm>>
    %dma_start3A_5 = tpu.memref_slice %arg2[%mul3A_4] : memref<1000448xf32, #tpu.memory_space<hbm>> -> memref<7816xf32, #tpu.memory_space<hbm>>
    tpu.enqueue_dma source(%dma_start3A_5 : memref<7816xf32, #tpu.memory_space<hbm>>) target(%arg8 : memref<7816xf32, #tpu.memory_space<vmem>>) target_semaphore(%arg15 : memref<!tpu.dma_semaphore, #tpu.memory_space<semaphore_mem>>)
    %add3A_6 = arith.constant 7816 : i32
    %add3A_7 = arith.addi %mul3A_4, %add3A_6 : i32
    %dma_start3A_8 = tpu.memref_slice %arg2[%add3A_7] : memref<1000448xf32, #tpu.memory_space<hbm>> -> memref<7816xf32, #tpu.memory_space<hbm>>
    %dma_start3A_9 = tpu.memref_slice %arg2[%add3A_7] : memref<1000448xf32, #tpu.memory_space<hbm>> -> memref<7816xf32, #tpu.memory_space<hbm>>
    tpu.enqueue_dma source(%dma_start3A_9 : memref<7816xf32, #tpu.memory_space<hbm>>) target(%arg9 : memref<7816xf32, #tpu.memory_space<vmem>>) target_semaphore(%arg15 : memref<!tpu.dma_semaphore, #tpu.memory_space<semaphore_mem>>)
    "tpu.region"() ({
      %run_scoped3A = tpu.sem_alloc : memref<!tpu.dma_semaphore, #tpu.memory_space<semaphore_mem>>
      %dma_start3A_100 = arith.constant 0 : i32
      %dma_start3A_101 = tpu.memref_slice %arg3[%dma_start3A_100, %mul3A_2] : memref<26x16384xi32, #tpu.memory_space<hbm>> -> memref<26x512xi32, #tpu.memory_space<hbm>>
      %dma_start3A_102 = arith.constant 0 : i32
      %dma_start3A_103 = tpu.memref_slice %arg3[%dma_start3A_102, %mul3A_2] : memref<26x16384xi32, #tpu.memory_space<hbm>> -> memref<26x512xi32, #tpu.memory_space<hbm>>
      tpu.enqueue_dma source(%dma_start3A_103 : memref<26x512xi32, #tpu.memory_space<hbm>>) target(%arg10 : memref<26x512xi32, #tpu.memory_space<vmem>>) target_semaphore(%run_scoped3A : memref<!tpu.dma_semaphore, #tpu.memory_space<semaphore_mem>>)
      %dma_wait3A_104 = arith.constant 0 : i32
      %dma_wait3A_105 = tpu.memref_slice %arg3[%dma_wait3A_104, %mul3A_2] : memref<26x16384xi32, #tpu.memory_space<hbm>> -> memref<26x512xi32, #tpu.memory_space<hbm>>
      %dma_wait3A_106 = arith.constant 0 : i32
      %dma_wait3A_107 = tpu.memref_slice %arg3[%dma_wait3A_106, %mul3A_2] : memref<26x16384xi32, #tpu.memory_space<hbm>> -> memref<26x512xi32, #tpu.memory_space<hbm>>
      tpu.wait_dma2 semaphore(%run_scoped3A : memref<!tpu.dma_semaphore, #tpu.memory_space<semaphore_mem>>) src(%dma_wait3A_107 : memref<26x512xi32, #tpu.memory_space<hbm>>) dst(%arg10 : memref<26x512xi32, #tpu.memory_space<vmem>>)
      tpu.yield
    }) : () -> ()
    "tpu.region"() ({
      %run_scoped3A = tpu.sem_alloc : memref<!tpu.dma_semaphore, #tpu.memory_space<semaphore_mem>>
      %dma_start3A_100 = arith.constant 0 : i32
      %dma_start3A_101 = tpu.memref_slice %arg4[%dma_start3A_100, %mul3A_2] : memref<26x16384xf32, #tpu.memory_space<hbm>> -> memref<26x512xf32, #tpu.memory_space<hbm>>
      %dma_start3A_102 = arith.constant 0 : i32
      %dma_start3A_103 = tpu.memref_slice %arg4[%dma_start3A_102, %mul3A_2] : memref<26x16384xf32, #tpu.memory_space<hbm>> -> memref<26x512xf32, #tpu.memory_space<hbm>>
      tpu.enqueue_dma source(%dma_start3A_103 : memref<26x512xf32, #tpu.memory_space<hbm>>) target(%arg11 : memref<26x512xf32, #tpu.memory_space<vmem>>) target_semaphore(%run_scoped3A : memref<!tpu.dma_semaphore, #tpu.memory_space<semaphore_mem>>)
      %dma_wait3A_104 = arith.constant 0 : i32
      %dma_wait3A_105 = tpu.memref_slice %arg4[%dma_wait3A_104, %mul3A_2] : memref<26x16384xf32, #tpu.memory_space<hbm>> -> memref<26x512xf32, #tpu.memory_space<hbm>>
      %dma_wait3A_106 = arith.constant 0 : i32
      %dma_wait3A_107 = tpu.memref_slice %arg4[%dma_wait3A_106, %mul3A_2] : memref<26x16384xf32, #tpu.memory_space<hbm>> -> memref<26x512xf32, #tpu.memory_space<hbm>>
      tpu.wait_dma2 semaphore(%run_scoped3A : memref<!tpu.dma_semaphore, #tpu.memory_space<semaphore_mem>>) src(%dma_wait3A_107 : memref<26x512xf32, #tpu.memory_space<hbm>>) dst(%arg11 : memref<26x512xf32, #tpu.memory_space<vmem>>)
      tpu.yield
    }) : () -> ()
    "tpu.region"() ({
      %run_scoped3A = tpu.sem_alloc : memref<!tpu.dma_semaphore, #tpu.memory_space<semaphore_mem>>
      tpu.enqueue_dma source(%arg5 : memref<16xf32, #tpu.memory_space<hbm>>) target(%arg13 : memref<16xf32, #tpu.memory_space<vmem>>) target_semaphore(%run_scoped3A : memref<!tpu.dma_semaphore, #tpu.memory_space<semaphore_mem>>)
      tpu.wait_dma2 semaphore(%run_scoped3A : memref<!tpu.dma_semaphore, #tpu.memory_space<semaphore_mem>>) src(%arg5 : memref<16xf32, #tpu.memory_space<hbm>>) dst(%arg13 : memref<16xf32, #tpu.memory_space<vmem>>)
      tpu.yield
    }) : () -> ()
    %add3A_10 = arith.constant 0 : i32
    %add3A_11 = arith.addi %mul3A_4, %add3A_10 : i32
    %dma_wait3A = tpu.memref_slice %arg2[%add3A_11] : memref<1000448xf32, #tpu.memory_space<hbm>> -> memref<7816xf32, #tpu.memory_space<hbm>>
    %dma_wait3A_12 = tpu.memref_slice %arg2[%add3A_11] : memref<1000448xf32, #tpu.memory_space<hbm>> -> memref<7816xf32, #tpu.memory_space<hbm>>
    tpu.wait_dma2 semaphore(%arg15 : memref<!tpu.dma_semaphore, #tpu.memory_space<semaphore_mem>>) src(%dma_wait3A_12 : memref<7816xf32, #tpu.memory_space<hbm>>) dst(%arg8 : memref<7816xf32, #tpu.memory_space<vmem>>)
    %add3A_13 = arith.constant 0 : i32
    %add3A_14 = arith.addi %mul3A_4, %add3A_13 : i32
    "tpu.region"() ({
      %run_scoped3A = tpu.sem_alloc : memref<!tpu.dma_semaphore, #tpu.memory_space<semaphore_mem>>
      %dma_start3A_100 = tpu.memref_slice %arg7[%add3A_14] : memref<1000448xf32, #tpu.memory_space<vmem_shared>> -> memref<7816xf32, #tpu.memory_space<vmem_shared>>
      %dma_start3A_101 = tpu.memref_slice %arg7[%add3A_14] : memref<1000448xf32, #tpu.memory_space<vmem_shared>> -> memref<7816xf32, #tpu.memory_space<vmem_shared>>
      tpu.enqueue_dma source(%arg8 : memref<7816xf32, #tpu.memory_space<vmem>>) target(%dma_start3A_101 : memref<7816xf32, #tpu.memory_space<vmem_shared>>) target_semaphore(%run_scoped3A : memref<!tpu.dma_semaphore, #tpu.memory_space<semaphore_mem>>)
      %dma_wait3A_102 = tpu.memref_slice %arg7[%add3A_14] : memref<1000448xf32, #tpu.memory_space<vmem_shared>> -> memref<7816xf32, #tpu.memory_space<vmem_shared>>
      %dma_wait3A_103 = tpu.memref_slice %arg7[%add3A_14] : memref<1000448xf32, #tpu.memory_space<vmem_shared>> -> memref<7816xf32, #tpu.memory_space<vmem_shared>>
      tpu.wait_dma2 semaphore(%run_scoped3A : memref<!tpu.dma_semaphore, #tpu.memory_space<semaphore_mem>>) src(%arg8 : memref<7816xf32, #tpu.memory_space<vmem>>) dst(%dma_wait3A_103 : memref<7816xf32, #tpu.memory_space<vmem_shared>>)
      tpu.yield
    }) : () -> ()
    %add3A_15 = arith.constant 15632 : i32
    %add3A_16 = arith.addi %mul3A_4, %add3A_15 : i32
    %dma_start3A_17 = tpu.memref_slice %arg2[%add3A_16] : memref<1000448xf32, #tpu.memory_space<hbm>> -> memref<7816xf32, #tpu.memory_space<hbm>>
    %dma_start3A_18 = tpu.memref_slice %arg2[%add3A_16] : memref<1000448xf32, #tpu.memory_space<hbm>> -> memref<7816xf32, #tpu.memory_space<hbm>>
    tpu.enqueue_dma source(%dma_start3A_18 : memref<7816xf32, #tpu.memory_space<hbm>>) target(%arg8 : memref<7816xf32, #tpu.memory_space<vmem>>) target_semaphore(%arg15 : memref<!tpu.dma_semaphore, #tpu.memory_space<semaphore_mem>>)
    %add3A_19 = arith.constant 7816 : i32
    %add3A_20 = arith.addi %mul3A_4, %add3A_19 : i32
    %dma_wait3A_21 = tpu.memref_slice %arg2[%add3A_20] : memref<1000448xf32, #tpu.memory_space<hbm>> -> memref<7816xf32, #tpu.memory_space<hbm>>
    %dma_wait3A_22 = tpu.memref_slice %arg2[%add3A_20] : memref<1000448xf32, #tpu.memory_space<hbm>> -> memref<7816xf32, #tpu.memory_space<hbm>>
    tpu.wait_dma2 semaphore(%arg15 : memref<!tpu.dma_semaphore, #tpu.memory_space<semaphore_mem>>) src(%dma_wait3A_22 : memref<7816xf32, #tpu.memory_space<hbm>>) dst(%arg9 : memref<7816xf32, #tpu.memory_space<vmem>>)
    %add3A_23 = arith.constant 7816 : i32
    %add3A_24 = arith.addi %mul3A_4, %add3A_23 : i32
    "tpu.region"() ({
      %run_scoped3A = tpu.sem_alloc : memref<!tpu.dma_semaphore, #tpu.memory_space<semaphore_mem>>
      %dma_start3A_100 = tpu.memref_slice %arg7[%add3A_24] : memref<1000448xf32, #tpu.memory_space<vmem_shared>> -> memref<7816xf32, #tpu.memory_space<vmem_shared>>
      %dma_start3A_101 = tpu.memref_slice %arg7[%add3A_24] : memref<1000448xf32, #tpu.memory_space<vmem_shared>> -> memref<7816xf32, #tpu.memory_space<vmem_shared>>
      tpu.enqueue_dma source(%arg9 : memref<7816xf32, #tpu.memory_space<vmem>>) target(%dma_start3A_101 : memref<7816xf32, #tpu.memory_space<vmem_shared>>) target_semaphore(%run_scoped3A : memref<!tpu.dma_semaphore, #tpu.memory_space<semaphore_mem>>)
      %dma_wait3A_102 = tpu.memref_slice %arg7[%add3A_24] : memref<1000448xf32, #tpu.memory_space<vmem_shared>> -> memref<7816xf32, #tpu.memory_space<vmem_shared>>
      %dma_wait3A_103 = tpu.memref_slice %arg7[%add3A_24] : memref<1000448xf32, #tpu.memory_space<vmem_shared>> -> memref<7816xf32, #tpu.memory_space<vmem_shared>>
      tpu.wait_dma2 semaphore(%run_scoped3A : memref<!tpu.dma_semaphore, #tpu.memory_space<semaphore_mem>>) src(%arg9 : memref<7816xf32, #tpu.memory_space<vmem>>) dst(%dma_wait3A_103 : memref<7816xf32, #tpu.memory_space<vmem_shared>>)
      tpu.yield
    }) : () -> ()
    %add3A_25 = arith.constant 23448 : i32
    %add3A_26 = arith.addi %mul3A_4, %add3A_25 : i32
    %dma_start3A_27 = tpu.memref_slice %arg2[%add3A_26] : memref<1000448xf32, #tpu.memory_space<hbm>> -> memref<7816xf32, #tpu.memory_space<hbm>>
    %dma_start3A_28 = tpu.memref_slice %arg2[%add3A_26] : memref<1000448xf32, #tpu.memory_space<hbm>> -> memref<7816xf32, #tpu.memory_space<hbm>>
    tpu.enqueue_dma source(%dma_start3A_28 : memref<7816xf32, #tpu.memory_space<hbm>>) target(%arg9 : memref<7816xf32, #tpu.memory_space<vmem>>) target_semaphore(%arg15 : memref<!tpu.dma_semaphore, #tpu.memory_space<semaphore_mem>>)
    %add3A_29 = arith.constant 15632 : i32
    %add3A_30 = arith.addi %mul3A_4, %add3A_29 : i32
    %dma_wait3A_31 = tpu.memref_slice %arg2[%add3A_30] : memref<1000448xf32, #tpu.memory_space<hbm>> -> memref<7816xf32, #tpu.memory_space<hbm>>
    %dma_wait3A_32 = tpu.memref_slice %arg2[%add3A_30] : memref<1000448xf32, #tpu.memory_space<hbm>> -> memref<7816xf32, #tpu.memory_space<hbm>>
    tpu.wait_dma2 semaphore(%arg15 : memref<!tpu.dma_semaphore, #tpu.memory_space<semaphore_mem>>) src(%dma_wait3A_32 : memref<7816xf32, #tpu.memory_space<hbm>>) dst(%arg8 : memref<7816xf32, #tpu.memory_space<vmem>>)
    %add3A_33 = arith.constant 15632 : i32
    %add3A_34 = arith.addi %mul3A_4, %add3A_33 : i32
    "tpu.region"() ({
      %run_scoped3A = tpu.sem_alloc : memref<!tpu.dma_semaphore, #tpu.memory_space<semaphore_mem>>
      %dma_start3A_100 = tpu.memref_slice %arg7[%add3A_34] : memref<1000448xf32, #tpu.memory_space<vmem_shared>> -> memref<7816xf32, #tpu.memory_space<vmem_shared>>
      %dma_start3A_101 = tpu.memref_slice %arg7[%add3A_34] : memref<1000448xf32, #tpu.memory_space<vmem_shared>> -> memref<7816xf32, #tpu.memory_space<vmem_shared>>
      tpu.enqueue_dma source(%arg8 : memref<7816xf32, #tpu.memory_space<vmem>>) target(%dma_start3A_101 : memref<7816xf32, #tpu.memory_space<vmem_shared>>) target_semaphore(%run_scoped3A : memref<!tpu.dma_semaphore, #tpu.memory_space<semaphore_mem>>)
      %dma_wait3A_102 = tpu.memref_slice %arg7[%add3A_34] : memref<1000448xf32, #tpu.memory_space<vmem_shared>> -> memref<7816xf32, #tpu.memory_space<vmem_shared>>
      %dma_wait3A_103 = tpu.memref_slice %arg7[%add3A_34] : memref<1000448xf32, #tpu.memory_space<vmem_shared>> -> memref<7816xf32, #tpu.memory_space<vmem_shared>>
      tpu.wait_dma2 semaphore(%run_scoped3A : memref<!tpu.dma_semaphore, #tpu.memory_space<semaphore_mem>>) src(%arg8 : memref<7816xf32, #tpu.memory_space<vmem>>) dst(%dma_wait3A_103 : memref<7816xf32, #tpu.memory_space<vmem_shared>>)
      tpu.yield
    }) : () -> ()
    %add3A_35 = arith.constant 31264 : i32
    %add3A_36 = arith.addi %mul3A_4, %add3A_35 : i32
    %dma_start3A_37 = tpu.memref_slice %arg2[%add3A_36] : memref<1000448xf32, #tpu.memory_space<hbm>> -> memref<7816xf32, #tpu.memory_space<hbm>>
    %dma_start3A_38 = tpu.memref_slice %arg2[%add3A_36] : memref<1000448xf32, #tpu.memory_space<hbm>> -> memref<7816xf32, #tpu.memory_space<hbm>>
    tpu.enqueue_dma source(%dma_start3A_38 : memref<7816xf32, #tpu.memory_space<hbm>>) target(%arg8 : memref<7816xf32, #tpu.memory_space<vmem>>) target_semaphore(%arg15 : memref<!tpu.dma_semaphore, #tpu.memory_space<semaphore_mem>>)
    %add3A_39 = arith.constant 23448 : i32
    %add3A_40 = arith.addi %mul3A_4, %add3A_39 : i32
    %dma_wait3A_41 = tpu.memref_slice %arg2[%add3A_40] : memref<1000448xf32, #tpu.memory_space<hbm>> -> memref<7816xf32, #tpu.memory_space<hbm>>
    %dma_wait3A_42 = tpu.memref_slice %arg2[%add3A_40] : memref<1000448xf32, #tpu.memory_space<hbm>> -> memref<7816xf32, #tpu.memory_space<hbm>>
    tpu.wait_dma2 semaphore(%arg15 : memref<!tpu.dma_semaphore, #tpu.memory_space<semaphore_mem>>) src(%dma_wait3A_42 : memref<7816xf32, #tpu.memory_space<hbm>>) dst(%arg9 : memref<7816xf32, #tpu.memory_space<vmem>>)
    %add3A_43 = arith.constant 23448 : i32
    %add3A_44 = arith.addi %mul3A_4, %add3A_43 : i32
    "tpu.region"() ({
      %run_scoped3A = tpu.sem_alloc : memref<!tpu.dma_semaphore, #tpu.memory_space<semaphore_mem>>
      %dma_start3A_100 = tpu.memref_slice %arg7[%add3A_44] : memref<1000448xf32, #tpu.memory_space<vmem_shared>> -> memref<7816xf32, #tpu.memory_space<vmem_shared>>
      %dma_start3A_101 = tpu.memref_slice %arg7[%add3A_44] : memref<1000448xf32, #tpu.memory_space<vmem_shared>> -> memref<7816xf32, #tpu.memory_space<vmem_shared>>
      tpu.enqueue_dma source(%arg9 : memref<7816xf32, #tpu.memory_space<vmem>>) target(%dma_start3A_101 : memref<7816xf32, #tpu.memory_space<vmem_shared>>) target_semaphore(%run_scoped3A : memref<!tpu.dma_semaphore, #tpu.memory_space<semaphore_mem>>)
      %dma_wait3A_102 = tpu.memref_slice %arg7[%add3A_44] : memref<1000448xf32, #tpu.memory_space<vmem_shared>> -> memref<7816xf32, #tpu.memory_space<vmem_shared>>
      %dma_wait3A_103 = tpu.memref_slice %arg7[%add3A_44] : memref<1000448xf32, #tpu.memory_space<vmem_shared>> -> memref<7816xf32, #tpu.memory_space<vmem_shared>>
      tpu.wait_dma2 semaphore(%run_scoped3A : memref<!tpu.dma_semaphore, #tpu.memory_space<semaphore_mem>>) src(%arg9 : memref<7816xf32, #tpu.memory_space<vmem>>) dst(%dma_wait3A_103 : memref<7816xf32, #tpu.memory_space<vmem_shared>>)
      tpu.yield
    }) : () -> ()
    %add3A_45 = arith.constant 39080 : i32
    %add3A_46 = arith.addi %mul3A_4, %add3A_45 : i32
    %dma_start3A_47 = tpu.memref_slice %arg2[%add3A_46] : memref<1000448xf32, #tpu.memory_space<hbm>> -> memref<7816xf32, #tpu.memory_space<hbm>>
    %dma_start3A_48 = tpu.memref_slice %arg2[%add3A_46] : memref<1000448xf32, #tpu.memory_space<hbm>> -> memref<7816xf32, #tpu.memory_space<hbm>>
    tpu.enqueue_dma source(%dma_start3A_48 : memref<7816xf32, #tpu.memory_space<hbm>>) target(%arg9 : memref<7816xf32, #tpu.memory_space<vmem>>) target_semaphore(%arg15 : memref<!tpu.dma_semaphore, #tpu.memory_space<semaphore_mem>>)
    %add3A_49 = arith.constant 31264 : i32
    %add3A_50 = arith.addi %mul3A_4, %add3A_49 : i32
    %dma_wait3A_51 = tpu.memref_slice %arg2[%add3A_50] : memref<1000448xf32, #tpu.memory_space<hbm>> -> memref<7816xf32, #tpu.memory_space<hbm>>
    %dma_wait3A_52 = tpu.memref_slice %arg2[%add3A_50] : memref<1000448xf32, #tpu.memory_space<hbm>> -> memref<7816xf32, #tpu.memory_space<hbm>>
    tpu.wait_dma2 semaphore(%arg15 : memref<!tpu.dma_semaphore, #tpu.memory_space<semaphore_mem>>) src(%dma_wait3A_52 : memref<7816xf32, #tpu.memory_space<hbm>>) dst(%arg8 : memref<7816xf32, #tpu.memory_space<vmem>>)
    %add3A_53 = arith.constant 31264 : i32
    %add3A_54 = arith.addi %mul3A_4, %add3A_53 : i32
    "tpu.region"() ({
      %run_scoped3A = tpu.sem_alloc : memref<!tpu.dma_semaphore, #tpu.memory_space<semaphore_mem>>
      %dma_start3A_100 = tpu.memref_slice %arg7[%add3A_54] : memref<1000448xf32, #tpu.memory_space<vmem_shared>> -> memref<7816xf32, #tpu.memory_space<vmem_shared>>
      %dma_start3A_101 = tpu.memref_slice %arg7[%add3A_54] : memref<1000448xf32, #tpu.memory_space<vmem_shared>> -> memref<7816xf32, #tpu.memory_space<vmem_shared>>
      tpu.enqueue_dma source(%arg8 : memref<7816xf32, #tpu.memory_space<vmem>>) target(%dma_start3A_101 : memref<7816xf32, #tpu.memory_space<vmem_shared>>) target_semaphore(%run_scoped3A : memref<!tpu.dma_semaphore, #tpu.memory_space<semaphore_mem>>)
      %dma_wait3A_102 = tpu.memref_slice %arg7[%add3A_54] : memref<1000448xf32, #tpu.memory_space<vmem_shared>> -> memref<7816xf32, #tpu.memory_space<vmem_shared>>
      %dma_wait3A_103 = tpu.memref_slice %arg7[%add3A_54] : memref<1000448xf32, #tpu.memory_space<vmem_shared>> -> memref<7816xf32, #tpu.memory_space<vmem_shared>>
      tpu.wait_dma2 semaphore(%run_scoped3A : memref<!tpu.dma_semaphore, #tpu.memory_space<semaphore_mem>>) src(%arg8 : memref<7816xf32, #tpu.memory_space<vmem>>) dst(%dma_wait3A_103 : memref<7816xf32, #tpu.memory_space<vmem_shared>>)
      tpu.yield
    }) : () -> ()
    %add3A_55 = arith.constant 46896 : i32
    %add3A_56 = arith.addi %mul3A_4, %add3A_55 : i32
    %dma_start3A_57 = tpu.memref_slice %arg2[%add3A_56] : memref<1000448xf32, #tpu.memory_space<hbm>> -> memref<7816xf32, #tpu.memory_space<hbm>>
    %dma_start3A_58 = tpu.memref_slice %arg2[%add3A_56] : memref<1000448xf32, #tpu.memory_space<hbm>> -> memref<7816xf32, #tpu.memory_space<hbm>>
    tpu.enqueue_dma source(%dma_start3A_58 : memref<7816xf32, #tpu.memory_space<hbm>>) target(%arg8 : memref<7816xf32, #tpu.memory_space<vmem>>) target_semaphore(%arg15 : memref<!tpu.dma_semaphore, #tpu.memory_space<semaphore_mem>>)
    %add3A_59 = arith.constant 39080 : i32
    %add3A_60 = arith.addi %mul3A_4, %add3A_59 : i32
    %dma_wait3A_61 = tpu.memref_slice %arg2[%add3A_60] : memref<1000448xf32, #tpu.memory_space<hbm>> -> memref<7816xf32, #tpu.memory_space<hbm>>
    %dma_wait3A_62 = tpu.memref_slice %arg2[%add3A_60] : memref<1000448xf32, #tpu.memory_space<hbm>> -> memref<7816xf32, #tpu.memory_space<hbm>>
    tpu.wait_dma2 semaphore(%arg15 : memref<!tpu.dma_semaphore, #tpu.memory_space<semaphore_mem>>) src(%dma_wait3A_62 : memref<7816xf32, #tpu.memory_space<hbm>>) dst(%arg9 : memref<7816xf32, #tpu.memory_space<vmem>>)
    %add3A_63 = arith.constant 39080 : i32
    %add3A_64 = arith.addi %mul3A_4, %add3A_63 : i32
    "tpu.region"() ({
      %run_scoped3A = tpu.sem_alloc : memref<!tpu.dma_semaphore, #tpu.memory_space<semaphore_mem>>
      %dma_start3A_100 = tpu.memref_slice %arg7[%add3A_64] : memref<1000448xf32, #tpu.memory_space<vmem_shared>> -> memref<7816xf32, #tpu.memory_space<vmem_shared>>
      %dma_start3A_101 = tpu.memref_slice %arg7[%add3A_64] : memref<1000448xf32, #tpu.memory_space<vmem_shared>> -> memref<7816xf32, #tpu.memory_space<vmem_shared>>
      tpu.enqueue_dma source(%arg9 : memref<7816xf32, #tpu.memory_space<vmem>>) target(%dma_start3A_101 : memref<7816xf32, #tpu.memory_space<vmem_shared>>) target_semaphore(%run_scoped3A : memref<!tpu.dma_semaphore, #tpu.memory_space<semaphore_mem>>)
      %dma_wait3A_102 = tpu.memref_slice %arg7[%add3A_64] : memref<1000448xf32, #tpu.memory_space<vmem_shared>> -> memref<7816xf32, #tpu.memory_space<vmem_shared>>
      %dma_wait3A_103 = tpu.memref_slice %arg7[%add3A_64] : memref<1000448xf32, #tpu.memory_space<vmem_shared>> -> memref<7816xf32, #tpu.memory_space<vmem_shared>>
      tpu.wait_dma2 semaphore(%run_scoped3A : memref<!tpu.dma_semaphore, #tpu.memory_space<semaphore_mem>>) src(%arg9 : memref<7816xf32, #tpu.memory_space<vmem>>) dst(%dma_wait3A_103 : memref<7816xf32, #tpu.memory_space<vmem_shared>>)
      tpu.yield
    }) : () -> ()
    %add3A_65 = arith.constant 54712 : i32
    %add3A_66 = arith.addi %mul3A_4, %add3A_65 : i32
    %dma_start3A_67 = tpu.memref_slice %arg2[%add3A_66] : memref<1000448xf32, #tpu.memory_space<hbm>> -> memref<7816xf32, #tpu.memory_space<hbm>>
    %dma_start3A_68 = tpu.memref_slice %arg2[%add3A_66] : memref<1000448xf32, #tpu.memory_space<hbm>> -> memref<7816xf32, #tpu.memory_space<hbm>>
    tpu.enqueue_dma source(%dma_start3A_68 : memref<7816xf32, #tpu.memory_space<hbm>>) target(%arg9 : memref<7816xf32, #tpu.memory_space<vmem>>) target_semaphore(%arg15 : memref<!tpu.dma_semaphore, #tpu.memory_space<semaphore_mem>>)
    %add3A_69 = arith.constant 46896 : i32
    %add3A_70 = arith.addi %mul3A_4, %add3A_69 : i32
    %dma_wait3A_71 = tpu.memref_slice %arg2[%add3A_70] : memref<1000448xf32, #tpu.memory_space<hbm>> -> memref<7816xf32, #tpu.memory_space<hbm>>
    %dma_wait3A_72 = tpu.memref_slice %arg2[%add3A_70] : memref<1000448xf32, #tpu.memory_space<hbm>> -> memref<7816xf32, #tpu.memory_space<hbm>>
    tpu.wait_dma2 semaphore(%arg15 : memref<!tpu.dma_semaphore, #tpu.memory_space<semaphore_mem>>) src(%dma_wait3A_72 : memref<7816xf32, #tpu.memory_space<hbm>>) dst(%arg8 : memref<7816xf32, #tpu.memory_space<vmem>>)
    %add3A_73 = arith.constant 46896 : i32
    %add3A_74 = arith.addi %mul3A_4, %add3A_73 : i32
    "tpu.region"() ({
      %run_scoped3A = tpu.sem_alloc : memref<!tpu.dma_semaphore, #tpu.memory_space<semaphore_mem>>
      %dma_start3A_100 = tpu.memref_slice %arg7[%add3A_74] : memref<1000448xf32, #tpu.memory_space<vmem_shared>> -> memref<7816xf32, #tpu.memory_space<vmem_shared>>
      %dma_start3A_101 = tpu.memref_slice %arg7[%add3A_74] : memref<1000448xf32, #tpu.memory_space<vmem_shared>> -> memref<7816xf32, #tpu.memory_space<vmem_shared>>
      tpu.enqueue_dma source(%arg8 : memref<7816xf32, #tpu.memory_space<vmem>>) target(%dma_start3A_101 : memref<7816xf32, #tpu.memory_space<vmem_shared>>) target_semaphore(%run_scoped3A : memref<!tpu.dma_semaphore, #tpu.memory_space<semaphore_mem>>)
      %dma_wait3A_102 = tpu.memref_slice %arg7[%add3A_74] : memref<1000448xf32, #tpu.memory_space<vmem_shared>> -> memref<7816xf32, #tpu.memory_space<vmem_shared>>
      %dma_wait3A_103 = tpu.memref_slice %arg7[%add3A_74] : memref<1000448xf32, #tpu.memory_space<vmem_shared>> -> memref<7816xf32, #tpu.memory_space<vmem_shared>>
      tpu.wait_dma2 semaphore(%run_scoped3A : memref<!tpu.dma_semaphore, #tpu.memory_space<semaphore_mem>>) src(%arg8 : memref<7816xf32, #tpu.memory_space<vmem>>) dst(%dma_wait3A_103 : memref<7816xf32, #tpu.memory_space<vmem_shared>>)
      tpu.yield
    }) : () -> ()
    %add3A_75 = arith.constant 54712 : i32
    %add3A_76 = arith.addi %mul3A_4, %add3A_75 : i32
    %dma_wait3A_77 = tpu.memref_slice %arg2[%add3A_76] : memref<1000448xf32, #tpu.memory_space<hbm>> -> memref<7816xf32, #tpu.memory_space<hbm>>
    %dma_wait3A_78 = tpu.memref_slice %arg2[%add3A_76] : memref<1000448xf32, #tpu.memory_space<hbm>> -> memref<7816xf32, #tpu.memory_space<hbm>>
    tpu.wait_dma2 semaphore(%arg15 : memref<!tpu.dma_semaphore, #tpu.memory_space<semaphore_mem>>) src(%dma_wait3A_78 : memref<7816xf32, #tpu.memory_space<hbm>>) dst(%arg9 : memref<7816xf32, #tpu.memory_space<vmem>>)
    %add3A_79 = arith.constant 54712 : i32
    %add3A_80 = arith.addi %mul3A_4, %add3A_79 : i32
    "tpu.region"() ({
      %run_scoped3A = tpu.sem_alloc : memref<!tpu.dma_semaphore, #tpu.memory_space<semaphore_mem>>
      %dma_start3A_100 = tpu.memref_slice %arg7[%add3A_80] : memref<1000448xf32, #tpu.memory_space<vmem_shared>> -> memref<7816xf32, #tpu.memory_space<vmem_shared>>
      %dma_start3A_101 = tpu.memref_slice %arg7[%add3A_80] : memref<1000448xf32, #tpu.memory_space<vmem_shared>> -> memref<7816xf32, #tpu.memory_space<vmem_shared>>
      tpu.enqueue_dma source(%arg9 : memref<7816xf32, #tpu.memory_space<vmem>>) target(%dma_start3A_101 : memref<7816xf32, #tpu.memory_space<vmem_shared>>) target_semaphore(%run_scoped3A : memref<!tpu.dma_semaphore, #tpu.memory_space<semaphore_mem>>)
      %dma_wait3A_102 = tpu.memref_slice %arg7[%add3A_80] : memref<1000448xf32, #tpu.memory_space<vmem_shared>> -> memref<7816xf32, #tpu.memory_space<vmem_shared>>
      %dma_wait3A_103 = tpu.memref_slice %arg7[%add3A_80] : memref<1000448xf32, #tpu.memory_space<vmem_shared>> -> memref<7816xf32, #tpu.memory_space<vmem_shared>>
      tpu.wait_dma2 semaphore(%run_scoped3A : memref<!tpu.dma_semaphore, #tpu.memory_space<semaphore_mem>>) src(%arg9 : memref<7816xf32, #tpu.memory_space<vmem>>) dst(%dma_wait3A_103 : memref<7816xf32, #tpu.memory_space<vmem_shared>>)
      tpu.yield
    }) : () -> ()
    %barrier3A = arith.constant 0 : index
    tpu.barrier barrier_id(%barrier3A)
    %scan3A = arith.constant 0 : i32
    %scan3A_81 = arith.constant 0 : i32
    %scan3A_82 = arith.constant 26 : i32
    %scan3A_83 = arith.addi %scan3A_81, %scan3A_82 : i32
    %scan3A_84 = arith.constant 1 : i32
    scf.for %scan3A_100 = %scan3A_81 to %scan3A_83 step %scan3A_84  : i32 {
      %dma_start3A_101 = arith.constant 0 : i32
      %dma_start3A_102 = tpu.memref_slice %arg12[%scan3A_100, %dma_start3A_101] : memref<26x512xf32, #tpu.memory_space<vmem>> -> memref<1x128xf32, #tpu.memory_space<vmem>>
      %dma_start3A_103 = tpu.memref_squeeze %dma_start3A_102 : memref<1x128xf32, #tpu.memory_space<vmem>> -> memref<128xf32, #tpu.memory_space<vmem>>
      %dma_start3A_104 = arith.constant 0 : i32
      %dma_start3A_105 = tpu.memref_slice %arg10[%scan3A_100, %dma_start3A_104] : memref<26x512xi32, #tpu.memory_space<vmem>> -> memref<1x128xi32, #tpu.memory_space<vmem>>
      %dma_start3A_106 = tpu.memref_squeeze %dma_start3A_105 : memref<1x128xi32, #tpu.memory_space<vmem>> -> memref<128xi32, #tpu.memory_space<vmem>>
      %dma_start3A_107 = arith.constant 0 : i32
      %dma_start3A_108 = tpu.memref_slice %arg7[%dma_start3A_107] : memref<1000448xf32, #tpu.memory_space<vmem_shared>> -> memref<1000448xf32, #tpu.memory_space<vmem_shared>>
      tpu.enqueue_indirect_dma source(%dma_start3A_108 : memref<1000448xf32, #tpu.memory_space<vmem_shared>>) target(%dma_start3A_103 : memref<128xf32, #tpu.memory_space<vmem>>) offsets(%dma_start3A_106 : memref<128xi32, #tpu.memory_space<vmem>>) semaphore(%arg15 : memref<!tpu.dma_semaphore, #tpu.memory_space<semaphore_mem>>)
      %dma_start3A_109 = arith.constant 128 : i32
      %dma_start3A_110 = tpu.memref_slice %arg12[%scan3A_100, %dma_start3A_109] : memref<26x512xf32, #tpu.memory_space<vmem>> -> memref<1x128xf32, #tpu.memory_space<vmem>>
      %dma_start3A_111 = tpu.memref_squeeze %dma_start3A_110 : memref<1x128xf32, #tpu.memory_space<vmem>> -> memref<128xf32, #tpu.memory_space<vmem>>
      %dma_start3A_112 = arith.constant 128 : i32
      %dma_start3A_113 = tpu.memref_slice %arg10[%scan3A_100, %dma_start3A_112] : memref<26x512xi32, #tpu.memory_space<vmem>> -> memref<1x128xi32, #tpu.memory_space<vmem>>
      %dma_start3A_114 = tpu.memref_squeeze %dma_start3A_113 : memref<1x128xi32, #tpu.memory_space<vmem>> -> memref<128xi32, #tpu.memory_space<vmem>>
      %dma_start3A_115 = arith.constant 0 : i32
      %dma_start3A_116 = tpu.memref_slice %arg7[%dma_start3A_115] : memref<1000448xf32, #tpu.memory_space<vmem_shared>> -> memref<1000448xf32, #tpu.memory_space<vmem_shared>>
      tpu.enqueue_indirect_dma source(%dma_start3A_116 : memref<1000448xf32, #tpu.memory_space<vmem_shared>>) target(%dma_start3A_111 : memref<128xf32, #tpu.memory_space<vmem>>) offsets(%dma_start3A_114 : memref<128xi32, #tpu.memory_space<vmem>>) semaphore(%arg15 : memref<!tpu.dma_semaphore, #tpu.memory_space<semaphore_mem>>)
      %dma_start3A_117 = arith.constant 256 : i32
      %dma_start3A_118 = tpu.memref_slice %arg12[%scan3A_100, %dma_start3A_117] : memref<26x512xf32, #tpu.memory_space<vmem>> -> memref<1x128xf32, #tpu.memory_space<vmem>>
      %dma_start3A_119 = tpu.memref_squeeze %dma_start3A_118 : memref<1x128xf32, #tpu.memory_space<vmem>> -> memref<128xf32, #tpu.memory_space<vmem>>
      %dma_start3A_120 = arith.constant 256 : i32
      %dma_start3A_121 = tpu.memref_slice %arg10[%scan3A_100, %dma_start3A_120] : memref<26x512xi32, #tpu.memory_space<vmem>> -> memref<1x128xi32, #tpu.memory_space<vmem>>
      %dma_start3A_122 = tpu.memref_squeeze %dma_start3A_121 : memref<1x128xi32, #tpu.memory_space<vmem>> -> memref<128xi32, #tpu.memory_space<vmem>>
      %dma_start3A_123 = arith.constant 0 : i32
      %dma_start3A_124 = tpu.memref_slice %arg7[%dma_start3A_123] : memref<1000448xf32, #tpu.memory_space<vmem_shared>> -> memref<1000448xf32, #tpu.memory_space<vmem_shared>>
      tpu.enqueue_indirect_dma source(%dma_start3A_124 : memref<1000448xf32, #tpu.memory_space<vmem_shared>>) target(%dma_start3A_119 : memref<128xf32, #tpu.memory_space<vmem>>) offsets(%dma_start3A_122 : memref<128xi32, #tpu.memory_space<vmem>>) semaphore(%arg15 : memref<!tpu.dma_semaphore, #tpu.memory_space<semaphore_mem>>)
      %dma_start3A_125 = arith.constant 384 : i32
      %dma_start3A_126 = tpu.memref_slice %arg12[%scan3A_100, %dma_start3A_125] : memref<26x512xf32, #tpu.memory_space<vmem>> -> memref<1x128xf32, #tpu.memory_space<vmem>>
      %dma_start3A_127 = tpu.memref_squeeze %dma_start3A_126 : memref<1x128xf32, #tpu.memory_space<vmem>> -> memref<128xf32, #tpu.memory_space<vmem>>
      %dma_start3A_128 = arith.constant 384 : i32
      %dma_start3A_129 = tpu.memref_slice %arg10[%scan3A_100, %dma_start3A_128] : memref<26x512xi32, #tpu.memory_space<vmem>> -> memref<1x128xi32, #tpu.memory_space<vmem>>
      %dma_start3A_130 = tpu.memref_squeeze %dma_start3A_129 : memref<1x128xi32, #tpu.memory_space<vmem>> -> memref<128xi32, #tpu.memory_space<vmem>>
      %dma_start3A_131 = arith.constant 0 : i32
      %dma_start3A_132 = tpu.memref_slice %arg7[%dma_start3A_131] : memref<1000448xf32, #tpu.memory_space<vmem_shared>> -> memref<1000448xf32, #tpu.memory_space<vmem_shared>>
      tpu.enqueue_indirect_dma source(%dma_start3A_132 : memref<1000448xf32, #tpu.memory_space<vmem_shared>>) target(%dma_start3A_127 : memref<128xf32, #tpu.memory_space<vmem>>) offsets(%dma_start3A_130 : memref<128xi32, #tpu.memory_space<vmem>>) semaphore(%arg15 : memref<!tpu.dma_semaphore, #tpu.memory_space<semaphore_mem>>)
    }
    %scan3A_85 = arith.constant 26 : i32
    %scan3A_86 = arith.constant 0 : i32
    %scan3A_87 = arith.constant 0 : i32
    %scan3A_88 = arith.constant 26 : i32
    %scan3A_89 = arith.addi %scan3A_87, %scan3A_88 : i32
    %scan3A_90 = arith.constant 1 : i32
    scf.for %scan3A_100 = %scan3A_87 to %scan3A_89 step %scan3A_90  : i32 {
      %dma_wait3A_101 = arith.constant 0 : i32
      %dma_wait3A_102 = tpu.memref_slice %arg12[%scan3A_100, %dma_wait3A_101] : memref<26x512xf32, #tpu.memory_space<vmem>> -> memref<1x128xf32, #tpu.memory_space<vmem>>
      %dma_wait3A_103 = tpu.memref_squeeze %dma_wait3A_102 : memref<1x128xf32, #tpu.memory_space<vmem>> -> memref<128xf32, #tpu.memory_space<vmem>>
      %dma_wait3A_104 = arith.constant 0 : i32
      %dma_wait3A_105 = tpu.memref_slice %arg10[%scan3A_100, %dma_wait3A_104] : memref<26x512xi32, #tpu.memory_space<vmem>> -> memref<1x128xi32, #tpu.memory_space<vmem>>
      %dma_wait3A_106 = tpu.memref_squeeze %dma_wait3A_105 : memref<1x128xi32, #tpu.memory_space<vmem>> -> memref<128xi32, #tpu.memory_space<vmem>>
      %dma_wait3A_107 = arith.constant 0 : i32
      %dma_wait3A_108 = tpu.memref_slice %arg7[%dma_wait3A_107] : memref<1000448xf32, #tpu.memory_space<vmem_shared>> -> memref<1000448xf32, #tpu.memory_space<vmem_shared>>
      tpu.wait_indirect_dma semaphore(%arg15 : memref<!tpu.dma_semaphore, #tpu.memory_space<semaphore_mem>>) src(%dma_wait3A_108 : memref<1000448xf32, #tpu.memory_space<vmem_shared>>) dst(%dma_wait3A_103 : memref<128xf32, #tpu.memory_space<vmem>>)
      %dma_wait3A_109 = arith.constant 128 : i32
      %dma_wait3A_110 = tpu.memref_slice %arg12[%scan3A_100, %dma_wait3A_109] : memref<26x512xf32, #tpu.memory_space<vmem>> -> memref<1x128xf32, #tpu.memory_space<vmem>>
      %dma_wait3A_111 = tpu.memref_squeeze %dma_wait3A_110 : memref<1x128xf32, #tpu.memory_space<vmem>> -> memref<128xf32, #tpu.memory_space<vmem>>
      %dma_wait3A_112 = arith.constant 128 : i32
      %dma_wait3A_113 = tpu.memref_slice %arg10[%scan3A_100, %dma_wait3A_112] : memref<26x512xi32, #tpu.memory_space<vmem>> -> memref<1x128xi32, #tpu.memory_space<vmem>>
      %dma_wait3A_114 = tpu.memref_squeeze %dma_wait3A_113 : memref<1x128xi32, #tpu.memory_space<vmem>> -> memref<128xi32, #tpu.memory_space<vmem>>
      %dma_wait3A_115 = arith.constant 0 : i32
      %dma_wait3A_116 = tpu.memref_slice %arg7[%dma_wait3A_115] : memref<1000448xf32, #tpu.memory_space<vmem_shared>> -> memref<1000448xf32, #tpu.memory_space<vmem_shared>>
      tpu.wait_indirect_dma semaphore(%arg15 : memref<!tpu.dma_semaphore, #tpu.memory_space<semaphore_mem>>) src(%dma_wait3A_116 : memref<1000448xf32, #tpu.memory_space<vmem_shared>>) dst(%dma_wait3A_111 : memref<128xf32, #tpu.memory_space<vmem>>)
      %dma_wait3A_117 = arith.constant 256 : i32
      %dma_wait3A_118 = tpu.memref_slice %arg12[%scan3A_100, %dma_wait3A_117] : memref<26x512xf32, #tpu.memory_space<vmem>> -> memref<1x128xf32, #tpu.memory_space<vmem>>
      %dma_wait3A_119 = tpu.memref_squeeze %dma_wait3A_118 : memref<1x128xf32, #tpu.memory_space<vmem>> -> memref<128xf32, #tpu.memory_space<vmem>>
      %dma_wait3A_120 = arith.constant 256 : i32
      %dma_wait3A_121 = tpu.memref_slice %arg10[%scan3A_100, %dma_wait3A_120] : memref<26x512xi32, #tpu.memory_space<vmem>> -> memref<1x128xi32, #tpu.memory_space<vmem>>
      %dma_wait3A_122 = tpu.memref_squeeze %dma_wait3A_121 : memref<1x128xi32, #tpu.memory_space<vmem>> -> memref<128xi32, #tpu.memory_space<vmem>>
      %dma_wait3A_123 = arith.constant 0 : i32
      %dma_wait3A_124 = tpu.memref_slice %arg7[%dma_wait3A_123] : memref<1000448xf32, #tpu.memory_space<vmem_shared>> -> memref<1000448xf32, #tpu.memory_space<vmem_shared>>
      tpu.wait_indirect_dma semaphore(%arg15 : memref<!tpu.dma_semaphore, #tpu.memory_space<semaphore_mem>>) src(%dma_wait3A_124 : memref<1000448xf32, #tpu.memory_space<vmem_shared>>) dst(%dma_wait3A_119 : memref<128xf32, #tpu.memory_space<vmem>>)
      %dma_wait3A_125 = arith.constant 384 : i32
      %dma_wait3A_126 = tpu.memref_slice %arg12[%scan3A_100, %dma_wait3A_125] : memref<26x512xf32, #tpu.memory_space<vmem>> -> memref<1x128xf32, #tpu.memory_space<vmem>>
      %dma_wait3A_127 = tpu.memref_squeeze %dma_wait3A_126 : memref<1x128xf32, #tpu.memory_space<vmem>> -> memref<128xf32, #tpu.memory_space<vmem>>
      %dma_wait3A_128 = arith.constant 384 : i32
      %dma_wait3A_129 = tpu.memref_slice %arg10[%scan3A_100, %dma_wait3A_128] : memref<26x512xi32, #tpu.memory_space<vmem>> -> memref<1x128xi32, #tpu.memory_space<vmem>>
      %dma_wait3A_130 = tpu.memref_squeeze %dma_wait3A_129 : memref<1x128xi32, #tpu.memory_space<vmem>> -> memref<128xi32, #tpu.memory_space<vmem>>
      %dma_wait3A_131 = arith.constant 0 : i32
      %dma_wait3A_132 = tpu.memref_slice %arg7[%dma_wait3A_131] : memref<1000448xf32, #tpu.memory_space<vmem_shared>> -> memref<1000448xf32, #tpu.memory_space<vmem_shared>>
      tpu.wait_indirect_dma semaphore(%arg15 : memref<!tpu.dma_semaphore, #tpu.memory_space<semaphore_mem>>) src(%dma_wait3A_132 : memref<1000448xf32, #tpu.memory_space<vmem_shared>>) dst(%dma_wait3A_127 : memref<128xf32, #tpu.memory_space<vmem>>)
    }
    %scan3A_91 = arith.constant 26 : i32
    %get3A = arith.constant 0 : index
    %get3A_92 = tpu.vector_load %arg13[%get3A] {strides = array<i32>} : memref<16xf32, #tpu.memory_space<vmem>>, vector<16xf32>,
    %get3A_93 = vector.shape_cast %get3A_92 : vector<16xf32> to vector<16xf32>
    %scan3A_94 = arith.constant 0 : i32
    %scan3A_95 = arith.constant 0 : i32
    %scan3A_96 = arith.constant 32 : i32
    %scan3A_97 = arith.addi %scan3A_95, %scan3A_96 : i32
    %scan3A_98 = arith.constant 1 : i32
    scf.for %scan3A_100 = %scan3A_95 to %scan3A_97 step %scan3A_98  : i32 {
      %mul3A_101 = arith.constant 16 : i32
      %mul3A_102 = arith.muli %scan3A_100, %mul3A_101 : i32
      %get3A_103 = arith.constant 0 : i32
      %get3A_104 = arith.index_cast %get3A_103 : i32 to index
      %get3A_105 = arith.index_cast %mul3A_102 : i32 to index
      %get3A_106 = tpu.vector_load %arg12[%get3A_104, %get3A_105] {strides = array<i32>} : memref<26x512xf32, #tpu.memory_space<vmem>>, vector<1x16xf32>,
      %get3A_107 = vector.shape_cast %get3A_106 : vector<1x16xf32> to vector<16xf32>
      %get3A_108 = arith.constant 0 : i32
      %get3A_109 = arith.index_cast %get3A_108 : i32 to index
      %get3A_110 = arith.index_cast %mul3A_102 : i32 to index
      %get3A_111 = tpu.vector_load %arg11[%get3A_109, %get3A_110] {strides = array<i32>} : memref<26x512xf32, #tpu.memory_space<vmem>>, vector<1x16xf32>,
      %get3A_112 = vector.shape_cast %get3A_111 : vector<1x16xf32> to vector<16xf32>
      %mul3A_113 = arith.mulf %get3A_107, %get3A_112 : vector<16xf32>
      %add3A_114 = arith.addf %get3A_93, %mul3A_113 : vector<16xf32>
      %get3A_115 = arith.constant 1 : i32
      %get3A_116 = arith.index_cast %get3A_115 : i32 to index
      %get3A_117 = arith.index_cast %mul3A_102 : i32 to index
      %get3A_118 = tpu.vector_load %arg12[%get3A_116, %get3A_117] {strides = array<i32>} : memref<26x512xf32, #tpu.memory_space<vmem>>, vector<1x16xf32>,
      %get3A_119 = vector.shape_cast %get3A_118 : vector<1x16xf32> to vector<16xf32>
      %get3A_120 = arith.constant 1 : i32
      %get3A_121 = arith.index_cast %get3A_120 : i32 to index
      %get3A_122 = arith.index_cast %mul3A_102 : i32 to index
      %get3A_123 = tpu.vector_load %arg11[%get3A_121, %get3A_122] {strides = array<i32>} : memref<26x512xf32, #tpu.memory_space<vmem>>, vector<1x16xf32>,
      %get3A_124 = vector.shape_cast %get3A_123 : vector<1x16xf32> to vector<16xf32>
      %mul3A_125 = arith.mulf %get3A_119, %get3A_124 : vector<16xf32>
      %add3A_126 = arith.addf %add3A_114, %mul3A_125 : vector<16xf32>
      %get3A_127 = arith.constant 2 : i32
      %get3A_128 = arith.index_cast %get3A_127 : i32 to index
      %get3A_129 = arith.index_cast %mul3A_102 : i32 to index
      %get3A_130 = tpu.vector_load %arg12[%get3A_128, %get3A_129] {strides = array<i32>} : memref<26x512xf32, #tpu.memory_space<vmem>>, vector<1x16xf32>,
      %get3A_131 = vector.shape_cast %get3A_130 : vector<1x16xf32> to vector<16xf32>
      %get3A_132 = arith.constant 2 : i32
      %get3A_133 = arith.index_cast %get3A_132 : i32 to index
      %get3A_134 = arith.index_cast %mul3A_102 : i32 to index
      %get3A_135 = tpu.vector_load %arg11[%get3A_133, %get3A_134] {strides = array<i32>} : memref<26x512xf32, #tpu.memory_space<vmem>>, vector<1x16xf32>,
      %get3A_136 = vector.shape_cast %get3A_135 : vector<1x16xf32> to vector<16xf32>
      %mul3A_137 = arith.mulf %get3A_131, %get3A_136 : vector<16xf32>
      %add3A_138 = arith.addf %add3A_126, %mul3A_137 : vector<16xf32>
      %get3A_139 = arith.constant 3 : i32
      %get3A_140 = arith.index_cast %get3A_139 : i32 to index
      %get3A_141 = arith.index_cast %mul3A_102 : i32 to index
      %get3A_142 = tpu.vector_load %arg12[%get3A_140, %get3A_141] {strides = array<i32>} : memref<26x512xf32, #tpu.memory_space<vmem>>, vector<1x16xf32>,
      %get3A_143 = vector.shape_cast %get3A_142 : vector<1x16xf32> to vector<16xf32>
      %get3A_144 = arith.constant 3 : i32
      %get3A_145 = arith.index_cast %get3A_144 : i32 to index
      %get3A_146 = arith.index_cast %mul3A_102 : i32 to index
      %get3A_147 = tpu.vector_load %arg11[%get3A_145, %get3A_146] {strides = array<i32>} : memref<26x512xf32, #tpu.memory_space<vmem>>, vector<1x16xf32>,
      %get3A_148 = vector.shape_cast %get3A_147 : vector<1x16xf32> to vector<16xf32>
      %mul3A_149 = arith.mulf %get3A_143, %get3A_148 : vector<16xf32>
      %add3A_150 = arith.addf %add3A_138, %mul3A_149 : vector<16xf32>
      %get3A_151 = arith.constant 4 : i32
      %get3A_152 = arith.index_cast %get3A_151 : i32 to index
      %get3A_153 = arith.index_cast %mul3A_102 : i32 to index
      %get3A_154 = tpu.vector_load %arg12[%get3A_152, %get3A_153] {strides = array<i32>} : memref<26x512xf32, #tpu.memory_space<vmem>>, vector<1x16xf32>,
      %get3A_155 = vector.shape_cast %get3A_154 : vector<1x16xf32> to vector<16xf32>
      %get3A_156 = arith.constant 4 : i32
      %get3A_157 = arith.index_cast %get3A_156 : i32 to index
      %get3A_158 = arith.index_cast %mul3A_102 : i32 to index
      %get3A_159 = tpu.vector_load %arg11[%get3A_157, %get3A_158] {strides = array<i32>} : memref<26x512xf32, #tpu.memory_space<vmem>>, vector<1x16xf32>,
      %get3A_160 = vector.shape_cast %get3A_159 : vector<1x16xf32> to vector<16xf32>
      %mul3A_161 = arith.mulf %get3A_155, %get3A_160 : vector<16xf32>
      %add3A_162 = arith.addf %add3A_150, %mul3A_161 : vector<16xf32>
      %get3A_163 = arith.constant 5 : i32
      %get3A_164 = arith.index_cast %get3A_163 : i32 to index
      %get3A_165 = arith.index_cast %mul3A_102 : i32 to index
      %get3A_166 = tpu.vector_load %arg12[%get3A_164, %get3A_165] {strides = array<i32>} : memref<26x512xf32, #tpu.memory_space<vmem>>, vector<1x16xf32>,
      %get3A_167 = vector.shape_cast %get3A_166 : vector<1x16xf32> to vector<16xf32>
      %get3A_168 = arith.constant 5 : i32
      %get3A_169 = arith.index_cast %get3A_168 : i32 to index
      %get3A_170 = arith.index_cast %mul3A_102 : i32 to index
      %get3A_171 = tpu.vector_load %arg11[%get3A_169, %get3A_170] {strides = array<i32>} : memref<26x512xf32, #tpu.memory_space<vmem>>, vector<1x16xf32>,
      %get3A_172 = vector.shape_cast %get3A_171 : vector<1x16xf32> to vector<16xf32>
      %mul3A_173 = arith.mulf %get3A_167, %get3A_172 : vector<16xf32>
      %add3A_174 = arith.addf %add3A_162, %mul3A_173 : vector<16xf32>
      %get3A_175 = arith.constant 6 : i32
      %get3A_176 = arith.index_cast %get3A_175 : i32 to index
      %get3A_177 = arith.index_cast %mul3A_102 : i32 to index
      %get3A_178 = tpu.vector_load %arg12[%get3A_176, %get3A_177] {strides = array<i32>} : memref<26x512xf32, #tpu.memory_space<vmem>>, vector<1x16xf32>,
      %get3A_179 = vector.shape_cast %get3A_178 : vector<1x16xf32> to vector<16xf32>
      %get3A_180 = arith.constant 6 : i32
      %get3A_181 = arith.index_cast %get3A_180 : i32 to index
      %get3A_182 = arith.index_cast %mul3A_102 : i32 to index
      %get3A_183 = tpu.vector_load %arg11[%get3A_181, %get3A_182] {strides = array<i32>} : memref<26x512xf32, #tpu.memory_space<vmem>>, vector<1x16xf32>,
      %get3A_184 = vector.shape_cast %get3A_183 : vector<1x16xf32> to vector<16xf32>
      %mul3A_185 = arith.mulf %get3A_179, %get3A_184 : vector<16xf32>
      %add3A_186 = arith.addf %add3A_174, %mul3A_185 : vector<16xf32>
      %get3A_187 = arith.constant 7 : i32
      %get3A_188 = arith.index_cast %get3A_187 : i32 to index
      %get3A_189 = arith.index_cast %mul3A_102 : i32 to index
      %get3A_190 = tpu.vector_load %arg12[%get3A_188, %get3A_189] {strides = array<i32>} : memref<26x512xf32, #tpu.memory_space<vmem>>, vector<1x16xf32>,
      %get3A_191 = vector.shape_cast %get3A_190 : vector<1x16xf32> to vector<16xf32>
      %get3A_192 = arith.constant 7 : i32
      %get3A_193 = arith.index_cast %get3A_192 : i32 to index
      %get3A_194 = arith.index_cast %mul3A_102 : i32 to index
      %get3A_195 = tpu.vector_load %arg11[%get3A_193, %get3A_194] {strides = array<i32>} : memref<26x512xf32, #tpu.memory_space<vmem>>, vector<1x16xf32>,
      %get3A_196 = vector.shape_cast %get3A_195 : vector<1x16xf32> to vector<16xf32>
      %mul3A_197 = arith.mulf %get3A_191, %get3A_196 : vector<16xf32>
      %add3A_198 = arith.addf %add3A_186, %mul3A_197 : vector<16xf32>
      %get3A_199 = arith.constant 8 : i32
      %get3A_200 = arith.index_cast %get3A_199 : i32 to index
      %get3A_201 = arith.index_cast %mul3A_102 : i32 to index
      %get3A_202 = tpu.vector_load %arg12[%get3A_200, %get3A_201] {strides = array<i32>} : memref<26x512xf32, #tpu.memory_space<vmem>>, vector<1x16xf32>,
      %get3A_203 = vector.shape_cast %get3A_202 : vector<1x16xf32> to vector<16xf32>
      %get3A_204 = arith.constant 8 : i32
      %get3A_205 = arith.index_cast %get3A_204 : i32 to index
      %get3A_206 = arith.index_cast %mul3A_102 : i32 to index
      %get3A_207 = tpu.vector_load %arg11[%get3A_205, %get3A_206] {strides = array<i32>} : memref<26x512xf32, #tpu.memory_space<vmem>>, vector<1x16xf32>,
      %get3A_208 = vector.shape_cast %get3A_207 : vector<1x16xf32> to vector<16xf32>
      %mul3A_209 = arith.mulf %get3A_203, %get3A_208 : vector<16xf32>
      %add3A_210 = arith.addf %add3A_198, %mul3A_209 : vector<16xf32>
      %get3A_211 = arith.constant 9 : i32
      %get3A_212 = arith.index_cast %get3A_211 : i32 to index
      %get3A_213 = arith.index_cast %mul3A_102 : i32 to index
      %get3A_214 = tpu.vector_load %arg12[%get3A_212, %get3A_213] {strides = array<i32>} : memref<26x512xf32, #tpu.memory_space<vmem>>, vector<1x16xf32>,
      %get3A_215 = vector.shape_cast %get3A_214 : vector<1x16xf32> to vector<16xf32>
      %get3A_216 = arith.constant 9 : i32
      %get3A_217 = arith.index_cast %get3A_216 : i32 to index
      %get3A_218 = arith.index_cast %mul3A_102 : i32 to index
      %get3A_219 = tpu.vector_load %arg11[%get3A_217, %get3A_218] {strides = array<i32>} : memref<26x512xf32, #tpu.memory_space<vmem>>, vector<1x16xf32>,
      %get3A_220 = vector.shape_cast %get3A_219 : vector<1x16xf32> to vector<16xf32>
      %mul3A_221 = arith.mulf %get3A_215, %get3A_220 : vector<16xf32>
      %add3A_222 = arith.addf %add3A_210, %mul3A_221 : vector<16xf32>
      %get3A_223 = arith.constant 10 : i32
      %get3A_224 = arith.index_cast %get3A_223 : i32 to index
      %get3A_225 = arith.index_cast %mul3A_102 : i32 to index
      %get3A_226 = tpu.vector_load %arg12[%get3A_224, %get3A_225] {strides = array<i32>} : memref<26x512xf32, #tpu.memory_space<vmem>>, vector<1x16xf32>,
      %get3A_227 = vector.shape_cast %get3A_226 : vector<1x16xf32> to vector<16xf32>
      %get3A_228 = arith.constant 10 : i32
      %get3A_229 = arith.index_cast %get3A_228 : i32 to index
      %get3A_230 = arith.index_cast %mul3A_102 : i32 to index
      %get3A_231 = tpu.vector_load %arg11[%get3A_229, %get3A_230] {strides = array<i32>} : memref<26x512xf32, #tpu.memory_space<vmem>>, vector<1x16xf32>,
      %get3A_232 = vector.shape_cast %get3A_231 : vector<1x16xf32> to vector<16xf32>
      %mul3A_233 = arith.mulf %get3A_227, %get3A_232 : vector<16xf32>
      %add3A_234 = arith.addf %add3A_222, %mul3A_233 : vector<16xf32>
      %get3A_235 = arith.constant 11 : i32
      %get3A_236 = arith.index_cast %get3A_235 : i32 to index
      %get3A_237 = arith.index_cast %mul3A_102 : i32 to index
      %get3A_238 = tpu.vector_load %arg12[%get3A_236, %get3A_237] {strides = array<i32>} : memref<26x512xf32, #tpu.memory_space<vmem>>, vector<1x16xf32>,
      %get3A_239 = vector.shape_cast %get3A_238 : vector<1x16xf32> to vector<16xf32>
      %get3A_240 = arith.constant 11 : i32
      %get3A_241 = arith.index_cast %get3A_240 : i32 to index
      %get3A_242 = arith.index_cast %mul3A_102 : i32 to index
      %get3A_243 = tpu.vector_load %arg11[%get3A_241, %get3A_242] {strides = array<i32>} : memref<26x512xf32, #tpu.memory_space<vmem>>, vector<1x16xf32>,
      %get3A_244 = vector.shape_cast %get3A_243 : vector<1x16xf32> to vector<16xf32>
      %mul3A_245 = arith.mulf %get3A_239, %get3A_244 : vector<16xf32>
      %add3A_246 = arith.addf %add3A_234, %mul3A_245 : vector<16xf32>
      %get3A_247 = arith.constant 12 : i32
      %get3A_248 = arith.index_cast %get3A_247 : i32 to index
      %get3A_249 = arith.index_cast %mul3A_102 : i32 to index
      %get3A_250 = tpu.vector_load %arg12[%get3A_248, %get3A_249] {strides = array<i32>} : memref<26x512xf32, #tpu.memory_space<vmem>>, vector<1x16xf32>,
      %get3A_251 = vector.shape_cast %get3A_250 : vector<1x16xf32> to vector<16xf32>
      %get3A_252 = arith.constant 12 : i32
      %get3A_253 = arith.index_cast %get3A_252 : i32 to index
      %get3A_254 = arith.index_cast %mul3A_102 : i32 to index
      %get3A_255 = tpu.vector_load %arg11[%get3A_253, %get3A_254] {strides = array<i32>} : memref<26x512xf32, #tpu.memory_space<vmem>>, vector<1x16xf32>,
      %get3A_256 = vector.shape_cast %get3A_255 : vector<1x16xf32> to vector<16xf32>
      %mul3A_257 = arith.mulf %get3A_251, %get3A_256 : vector<16xf32>
      %add3A_258 = arith.addf %add3A_246, %mul3A_257 : vector<16xf32>
      %get3A_259 = arith.constant 13 : i32
      %get3A_260 = arith.index_cast %get3A_259 : i32 to index
      %get3A_261 = arith.index_cast %mul3A_102 : i32 to index
      %get3A_262 = tpu.vector_load %arg12[%get3A_260, %get3A_261] {strides = array<i32>} : memref<26x512xf32, #tpu.memory_space<vmem>>, vector<1x16xf32>,
      %get3A_263 = vector.shape_cast %get3A_262 : vector<1x16xf32> to vector<16xf32>
      %get3A_264 = arith.constant 13 : i32
      %get3A_265 = arith.index_cast %get3A_264 : i32 to index
      %get3A_266 = arith.index_cast %mul3A_102 : i32 to index
      %get3A_267 = tpu.vector_load %arg11[%get3A_265, %get3A_266] {strides = array<i32>} : memref<26x512xf32, #tpu.memory_space<vmem>>, vector<1x16xf32>,
      %get3A_268 = vector.shape_cast %get3A_267 : vector<1x16xf32> to vector<16xf32>
      %mul3A_269 = arith.mulf %get3A_263, %get3A_268 : vector<16xf32>
      %add3A_270 = arith.addf %add3A_258, %mul3A_269 : vector<16xf32>
      %get3A_271 = arith.constant 14 : i32
      %get3A_272 = arith.index_cast %get3A_271 : i32 to index
      %get3A_273 = arith.index_cast %mul3A_102 : i32 to index
      %get3A_274 = tpu.vector_load %arg12[%get3A_272, %get3A_273] {strides = array<i32>} : memref<26x512xf32, #tpu.memory_space<vmem>>, vector<1x16xf32>,
      %get3A_275 = vector.shape_cast %get3A_274 : vector<1x16xf32> to vector<16xf32>
      %get3A_276 = arith.constant 14 : i32
      %get3A_277 = arith.index_cast %get3A_276 : i32 to index
      %get3A_278 = arith.index_cast %mul3A_102 : i32 to index
      %get3A_279 = tpu.vector_load %arg11[%get3A_277, %get3A_278] {strides = array<i32>} : memref<26x512xf32, #tpu.memory_space<vmem>>, vector<1x16xf32>,
      %get3A_280 = vector.shape_cast %get3A_279 : vector<1x16xf32> to vector<16xf32>
      %mul3A_281 = arith.mulf %get3A_275, %get3A_280 : vector<16xf32>
      %add3A_282 = arith.addf %add3A_270, %mul3A_281 : vector<16xf32>
      %get3A_283 = arith.constant 15 : i32
      %get3A_284 = arith.index_cast %get3A_283 : i32 to index
      %get3A_285 = arith.index_cast %mul3A_102 : i32 to index
      %get3A_286 = tpu.vector_load %arg12[%get3A_284, %get3A_285] {strides = array<i32>} : memref<26x512xf32, #tpu.memory_space<vmem>>, vector<1x16xf32>,
      %get3A_287 = vector.shape_cast %get3A_286 : vector<1x16xf32> to vector<16xf32>
      %get3A_288 = arith.constant 15 : i32
      %get3A_289 = arith.index_cast %get3A_288 : i32 to index
      %get3A_290 = arith.index_cast %mul3A_102 : i32 to index
      %get3A_291 = tpu.vector_load %arg11[%get3A_289, %get3A_290] {strides = array<i32>} : memref<26x512xf32, #tpu.memory_space<vmem>>, vector<1x16xf32>,
      %get3A_292 = vector.shape_cast %get3A_291 : vector<1x16xf32> to vector<16xf32>
      %mul3A_293 = arith.mulf %get3A_287, %get3A_292 : vector<16xf32>
      %add3A_294 = arith.addf %add3A_282, %mul3A_293 : vector<16xf32>
      %get3A_295 = arith.constant 16 : i32
      %get3A_296 = arith.index_cast %get3A_295 : i32 to index
      %get3A_297 = arith.index_cast %mul3A_102 : i32 to index
      %get3A_298 = tpu.vector_load %arg12[%get3A_296, %get3A_297] {strides = array<i32>} : memref<26x512xf32, #tpu.memory_space<vmem>>, vector<1x16xf32>,
      %get3A_299 = vector.shape_cast %get3A_298 : vector<1x16xf32> to vector<16xf32>
      %get3A_300 = arith.constant 16 : i32
      %get3A_301 = arith.index_cast %get3A_300 : i32 to index
      %get3A_302 = arith.index_cast %mul3A_102 : i32 to index
      %get3A_303 = tpu.vector_load %arg11[%get3A_301, %get3A_302] {strides = array<i32>} : memref<26x512xf32, #tpu.memory_space<vmem>>, vector<1x16xf32>,
      %get3A_304 = vector.shape_cast %get3A_303 : vector<1x16xf32> to vector<16xf32>
      %mul3A_305 = arith.mulf %get3A_299, %get3A_304 : vector<16xf32>
      %add3A_306 = arith.addf %add3A_294, %mul3A_305 : vector<16xf32>
      %get3A_307 = arith.constant 17 : i32
      %get3A_308 = arith.index_cast %get3A_307 : i32 to index
      %get3A_309 = arith.index_cast %mul3A_102 : i32 to index
      %get3A_310 = tpu.vector_load %arg12[%get3A_308, %get3A_309] {strides = array<i32>} : memref<26x512xf32, #tpu.memory_space<vmem>>, vector<1x16xf32>,
      %get3A_311 = vector.shape_cast %get3A_310 : vector<1x16xf32> to vector<16xf32>
      %get3A_312 = arith.constant 17 : i32
      %get3A_313 = arith.index_cast %get3A_312 : i32 to index
      %get3A_314 = arith.index_cast %mul3A_102 : i32 to index
      %get3A_315 = tpu.vector_load %arg11[%get3A_313, %get3A_314] {strides = array<i32>} : memref<26x512xf32, #tpu.memory_space<vmem>>, vector<1x16xf32>,
      %get3A_316 = vector.shape_cast %get3A_315 : vector<1x16xf32> to vector<16xf32>
      %mul3A_317 = arith.mulf %get3A_311, %get3A_316 : vector<16xf32>
      %add3A_318 = arith.addf %add3A_306, %mul3A_317 : vector<16xf32>
      %get3A_319 = arith.constant 18 : i32
      %get3A_320 = arith.index_cast %get3A_319 : i32 to index
      %get3A_321 = arith.index_cast %mul3A_102 : i32 to index
      %get3A_322 = tpu.vector_load %arg12[%get3A_320, %get3A_321] {strides = array<i32>} : memref<26x512xf32, #tpu.memory_space<vmem>>, vector<1x16xf32>,
      %get3A_323 = vector.shape_cast %get3A_322 : vector<1x16xf32> to vector<16xf32>
      %get3A_324 = arith.constant 18 : i32
      %get3A_325 = arith.index_cast %get3A_324 : i32 to index
      %get3A_326 = arith.index_cast %mul3A_102 : i32 to index
      %get3A_327 = tpu.vector_load %arg11[%get3A_325, %get3A_326] {strides = array<i32>} : memref<26x512xf32, #tpu.memory_space<vmem>>, vector<1x16xf32>,
      %get3A_328 = vector.shape_cast %get3A_327 : vector<1x16xf32> to vector<16xf32>
      %mul3A_329 = arith.mulf %get3A_323, %get3A_328 : vector<16xf32>
      %add3A_330 = arith.addf %add3A_318, %mul3A_329 : vector<16xf32>
      %get3A_331 = arith.constant 19 : i32
      %get3A_332 = arith.index_cast %get3A_331 : i32 to index
      %get3A_333 = arith.index_cast %mul3A_102 : i32 to index
      %get3A_334 = tpu.vector_load %arg12[%get3A_332, %get3A_333] {strides = array<i32>} : memref<26x512xf32, #tpu.memory_space<vmem>>, vector<1x16xf32>,
      %get3A_335 = vector.shape_cast %get3A_334 : vector<1x16xf32> to vector<16xf32>
      %get3A_336 = arith.constant 19 : i32
      %get3A_337 = arith.index_cast %get3A_336 : i32 to index
      %get3A_338 = arith.index_cast %mul3A_102 : i32 to index
      %get3A_339 = tpu.vector_load %arg11[%get3A_337, %get3A_338] {strides = array<i32>} : memref<26x512xf32, #tpu.memory_space<vmem>>, vector<1x16xf32>,
      %get3A_340 = vector.shape_cast %get3A_339 : vector<1x16xf32> to vector<16xf32>
      %mul3A_341 = arith.mulf %get3A_335, %get3A_340 : vector<16xf32>
      %add3A_342 = arith.addf %add3A_330, %mul3A_341 : vector<16xf32>
      %get3A_343 = arith.constant 20 : i32
      %get3A_344 = arith.index_cast %get3A_343 : i32 to index
      %get3A_345 = arith.index_cast %mul3A_102 : i32 to index
      %get3A_346 = tpu.vector_load %arg12[%get3A_344, %get3A_345] {strides = array<i32>} : memref<26x512xf32, #tpu.memory_space<vmem>>, vector<1x16xf32>,
      %get3A_347 = vector.shape_cast %get3A_346 : vector<1x16xf32> to vector<16xf32>
      %get3A_348 = arith.constant 20 : i32
      %get3A_349 = arith.index_cast %get3A_348 : i32 to index
      %get3A_350 = arith.index_cast %mul3A_102 : i32 to index
      %get3A_351 = tpu.vector_load %arg11[%get3A_349, %get3A_350] {strides = array<i32>} : memref<26x512xf32, #tpu.memory_space<vmem>>, vector<1x16xf32>,
      %get3A_352 = vector.shape_cast %get3A_351 : vector<1x16xf32> to vector<16xf32>
      %mul3A_353 = arith.mulf %get3A_347, %get3A_352 : vector<16xf32>
      %add3A_354 = arith.addf %add3A_342, %mul3A_353 : vector<16xf32>
      %get3A_355 = arith.constant 21 : i32
      %get3A_356 = arith.index_cast %get3A_355 : i32 to index
      %get3A_357 = arith.index_cast %mul3A_102 : i32 to index
      %get3A_358 = tpu.vector_load %arg12[%get3A_356, %get3A_357] {strides = array<i32>} : memref<26x512xf32, #tpu.memory_space<vmem>>, vector<1x16xf32>,
      %get3A_359 = vector.shape_cast %get3A_358 : vector<1x16xf32> to vector<16xf32>
      %get3A_360 = arith.constant 21 : i32
      %get3A_361 = arith.index_cast %get3A_360 : i32 to index
      %get3A_362 = arith.index_cast %mul3A_102 : i32 to index
      %get3A_363 = tpu.vector_load %arg11[%get3A_361, %get3A_362] {strides = array<i32>} : memref<26x512xf32, #tpu.memory_space<vmem>>, vector<1x16xf32>,
      %get3A_364 = vector.shape_cast %get3A_363 : vector<1x16xf32> to vector<16xf32>
      %mul3A_365 = arith.mulf %get3A_359, %get3A_364 : vector<16xf32>
      %add3A_366 = arith.addf %add3A_354, %mul3A_365 : vector<16xf32>
      %get3A_367 = arith.constant 22 : i32
      %get3A_368 = arith.index_cast %get3A_367 : i32 to index
      %get3A_369 = arith.index_cast %mul3A_102 : i32 to index
      %get3A_370 = tpu.vector_load %arg12[%get3A_368, %get3A_369] {strides = array<i32>} : memref<26x512xf32, #tpu.memory_space<vmem>>, vector<1x16xf32>,
      %get3A_371 = vector.shape_cast %get3A_370 : vector<1x16xf32> to vector<16xf32>
      %get3A_372 = arith.constant 22 : i32
      %get3A_373 = arith.index_cast %get3A_372 : i32 to index
      %get3A_374 = arith.index_cast %mul3A_102 : i32 to index
      %get3A_375 = tpu.vector_load %arg11[%get3A_373, %get3A_374] {strides = array<i32>} : memref<26x512xf32, #tpu.memory_space<vmem>>, vector<1x16xf32>,
      %get3A_376 = vector.shape_cast %get3A_375 : vector<1x16xf32> to vector<16xf32>
      %mul3A_377 = arith.mulf %get3A_371, %get3A_376 : vector<16xf32>
      %add3A_378 = arith.addf %add3A_366, %mul3A_377 : vector<16xf32>
      %get3A_379 = arith.constant 23 : i32
      %get3A_380 = arith.index_cast %get3A_379 : i32 to index
      %get3A_381 = arith.index_cast %mul3A_102 : i32 to index
      %get3A_382 = tpu.vector_load %arg12[%get3A_380, %get3A_381] {strides = array<i32>} : memref<26x512xf32, #tpu.memory_space<vmem>>, vector<1x16xf32>,
      %get3A_383 = vector.shape_cast %get3A_382 : vector<1x16xf32> to vector<16xf32>
      %get3A_384 = arith.constant 23 : i32
      %get3A_385 = arith.index_cast %get3A_384 : i32 to index
      %get3A_386 = arith.index_cast %mul3A_102 : i32 to index
      %get3A_387 = tpu.vector_load %arg11[%get3A_385, %get3A_386] {strides = array<i32>} : memref<26x512xf32, #tpu.memory_space<vmem>>, vector<1x16xf32>,
      %get3A_388 = vector.shape_cast %get3A_387 : vector<1x16xf32> to vector<16xf32>
      %mul3A_389 = arith.mulf %get3A_383, %get3A_388 : vector<16xf32>
      %add3A_390 = arith.addf %add3A_378, %mul3A_389 : vector<16xf32>
      %get3A_391 = arith.constant 24 : i32
      %get3A_392 = arith.index_cast %get3A_391 : i32 to index
      %get3A_393 = arith.index_cast %mul3A_102 : i32 to index
      %get3A_394 = tpu.vector_load %arg12[%get3A_392, %get3A_393] {strides = array<i32>} : memref<26x512xf32, #tpu.memory_space<vmem>>, vector<1x16xf32>,
      %get3A_395 = vector.shape_cast %get3A_394 : vector<1x16xf32> to vector<16xf32>
      %get3A_396 = arith.constant 24 : i32
      %get3A_397 = arith.index_cast %get3A_396 : i32 to index
      %get3A_398 = arith.index_cast %mul3A_102 : i32 to index
      %get3A_399 = tpu.vector_load %arg11[%get3A_397, %get3A_398] {strides = array<i32>} : memref<26x512xf32, #tpu.memory_space<vmem>>, vector<1x16xf32>,
      %get3A_400 = vector.shape_cast %get3A_399 : vector<1x16xf32> to vector<16xf32>
      %mul3A_401 = arith.mulf %get3A_395, %get3A_400 : vector<16xf32>
      %add3A_402 = arith.addf %add3A_390, %mul3A_401 : vector<16xf32>
      %get3A_403 = arith.constant 25 : i32
      %get3A_404 = arith.index_cast %get3A_403 : i32 to index
      %get3A_405 = arith.index_cast %mul3A_102 : i32 to index
      %get3A_406 = tpu.vector_load %arg12[%get3A_404, %get3A_405] {strides = array<i32>} : memref<26x512xf32, #tpu.memory_space<vmem>>, vector<1x16xf32>,
      %get3A_407 = vector.shape_cast %get3A_406 : vector<1x16xf32> to vector<16xf32>
      %get3A_408 = arith.constant 25 : i32
      %get3A_409 = arith.index_cast %get3A_408 : i32 to index
      %get3A_410 = arith.index_cast %mul3A_102 : i32 to index
      %get3A_411 = tpu.vector_load %arg11[%get3A_409, %get3A_410] {strides = array<i32>} : memref<26x512xf32, #tpu.memory_space<vmem>>, vector<1x16xf32>,
      %get3A_412 = vector.shape_cast %get3A_411 : vector<1x16xf32> to vector<16xf32>
      %mul3A_413 = arith.mulf %get3A_407, %get3A_412 : vector<16xf32>
      %add3A_414 = arith.addf %add3A_402, %mul3A_413 : vector<16xf32>
      %swap3A = arith.index_cast %mul3A_102 : i32 to index
      %swap3A_415 = tpu.vector_load %arg14[%swap3A] {strides = array<i32>} : memref<512xf32, #tpu.memory_space<vmem>>, vector<16xf32>,
      %swap3A_416 = vector.shape_cast %swap3A_415 : vector<16xf32> to vector<16xf32>
      %swap3A_417 = vector.shape_cast %add3A_414 : vector<16xf32> to vector<16xf32>
      tpu.vector_store %arg14[%swap3A], %swap3A_417 {strides = array<i32>} : memref<512xf32, #tpu.memory_space<vmem>>, vector<16xf32>,
    }
    %scan3A_99 = arith.constant 32 : i32
    "tpu.region"() ({
      %run_scoped3A = tpu.sem_alloc : memref<!tpu.dma_semaphore, #tpu.memory_space<semaphore_mem>>
      %dma_start3A_100 = tpu.memref_slice %arg6[%mul3A_2] : memref<16384xf32, #tpu.memory_space<hbm>> -> memref<512xf32, #tpu.memory_space<hbm>>
      %dma_start3A_101 = tpu.memref_slice %arg6[%mul3A_2] : memref<16384xf32, #tpu.memory_space<hbm>> -> memref<512xf32, #tpu.memory_space<hbm>>
      tpu.enqueue_dma source(%arg14 : memref<512xf32, #tpu.memory_space<vmem>>) target(%dma_start3A_101 : memref<512xf32, #tpu.memory_space<hbm>>) target_semaphore(%run_scoped3A : memref<!tpu.dma_semaphore, #tpu.memory_space<semaphore_mem>>)
      %dma_wait3A_102 = tpu.memref_slice %arg6[%mul3A_2] : memref<16384xf32, #tpu.memory_space<hbm>> -> memref<512xf32, #tpu.memory_space<hbm>>
      %dma_wait3A_103 = tpu.memref_slice %arg6[%mul3A_2] : memref<16384xf32, #tpu.memory_space<hbm>> -> memref<512xf32, #tpu.memory_space<hbm>>
      tpu.wait_dma2 semaphore(%run_scoped3A : memref<!tpu.dma_semaphore, #tpu.memory_space<semaphore_mem>>) src(%arg14 : memref<512xf32, #tpu.memory_space<vmem>>) dst(%dma_wait3A_103 : memref<512xf32, #tpu.memory_space<hbm>>)
      tpu.yield
    }) : () -> ()
    return
  }
}

</mosaic_0001>

<sc_bundles>
// kernel: kernel.3.cloned.1.call-start
scs
__scs_entry_jumppad:
0x0: {  	(pc) =	sbr.rel $0x88, $3  }
0x1: {  	(tag) =	ssettag $0x0;
	lr =	simm.s32 $0x1  }
0x2: {  	[smem:$0x3F9D] =	sst lr;
	_ =	strace $0xD0000000  }
0x3: {  	_ = 	snop  }
0x4: {  	_ = 	snop  }
0x5: {  	_ = 	snop  }
0x6: {  	_ = 	snop  }
0x7: {  	_ = 	snop  }
__scs_overlays_trampoline_lowered:
0x8: {  	[smem:$0x3FAC] =	sst s0  }
0x9: {  	[smem:$0x3FAD] =	sst s1  }
0xa: {  	[smem:$0x3FAE] =	sst s2  }
0xb: {  	[smem:$0x3FAF] =	sst s3  }
0xc: {  	[smem:$0x3FB0] =	sst s4  }
0xd: {  	[smem:$0x3FB1] =	sst s5  }
0xe: {  	[smem:$0x3FB2] =	sst s6  }
0xf: {  	[smem:$0x3FB3] =	sst s7  }
0x10: {  	[smem:$0x3FB4] =	sst s8  }
0x11: {  	[smem:$0x3FB5] =	sst s9;
	s0 =	simm.s32 @!p0 $0x0  }
0x12: {  	s1 =	sld [smem:$0x3F9B];
	s0 =	simm.s32 @p0 $0x1  }
0x13: {  	[smem:$0x3FB6] =	sst s0;
	s0 =	simm.s32 @!p1 $0x0  }
0x14: {  	s2 =	sld [smem:$0x3F9A];
	s0 =	simm.s32 @p1 $0x1  }
0x15: {  	[smem:$0x3FB7] =	sst s0;
	s0 =	simm.s32 @!p2 $0x0  }
0x16: {  	s3 =	sld [smem:$0x3FDB];
	s0 =	simm.s32 @p2 $0x1  }
0x17: {  	s4 =	simm.s32 $0x1BF5;
	[smem:$0x3FB9] =	sst s0  }
0x18: {  	s0 =	sld [smem:$0x3F9C];
	_ =	swait.ge [sflag:s4], $0x0  }
0x19: {  	s7 =	sld [smem:$0x3F9D]  }
0x1a: {  	s8 =	sadd.s32 $0xFFFFE003, lr  }
0x1b: {  	s9 =	sadd.s32 $0xFFFFFEF7, lr;
	s5 =	simm.s32 $0xFFFFFFFF;
	p2 =	slt.u32 s8, $0xFFFFF086  }
0x1c: {  	p1 =	slt.u32 s9, $0xF7A;
	s5 =	simm.s32 @!p2 $0x0  }
0x1d: {  	s5 =	simm.s32 @p1 $0x1;
	p0 =	seq.s32 s7, s2  }
0x1e: {  	s7 =	smul.u32 @!p0 $0xF7A, s2;
	p2 =	seq.s32 @!p0 s5, $0x0  }
0x1f: {  	s9 =	smul.u32 $0xF7A, s1;
	s8 =	simm.s32 @!p0 $0x1BF5;
	p2 =	por !p2, p0  }
0x20: {  	[sflag:s8] =	ssyncset.s32 @!p0 $0xFFFFF086;
	s6 =	sadd.s32 @!p0 s3, s7;
	s7 =	simm.s32 @!p0 $0x108  }
0x21: {  	s3 =	sadd.s32 s3, s9;
	s6 =	sadd.s32 @!p0 $0x88, s6;
	s7 =	simm.s32 @p2 $0x1082  }
0x22: {  	[simem:s7], [sflag:s8] =	dma.local @!p0 [hbm:s6], $0xF7A  }
0x23: {  	s9 =	sor.u32 $0xD0000000, s2;
	s6 =	simm.s32 $0x108;
	_ =	swait.ge @!p0 [sflag:s8], $0x0  }
0x24: {  	s3 =	sadd.s32 $0x88, s3;
	s6 =	simm.s32 @!p1 $0x1082;
	[sflag:s4] =	ssyncset.s32 $0xFFFFF086  }
0x25: {  	[simem:s6], [sflag:s4] =	dma.local [hbm:s3], $0xF7A  }
0x26: {  	[smem:$0x3F9D] =	sst s1;
	(tag) =	ssettag s2;
	_ =	strace s9  }
0x27: {  	s1 =	sld [smem:$0x3FAD]  }
0x28: {  	s2 =	sld [smem:$0x3FAE]  }
0x29: {  	s4 =	sld [smem:$0x3FB0]  }
0x2a: {  	p0 =	seq.s32 s5, $0x0;
	s5 =	sld [smem:$0x3FB1]  }
0x2b: {  	s6 =	sld [smem:$0x3FB2]  }
0x2c: {  	s7 =	sld [smem:$0x3FB3]  }
0x2d: {  	s3 =	simm.s32 $0x108;
	s8 =	sld [smem:$0x3FB4]  }
0x2e: {  	s3 =	simm.s32 @!p0 $0x1082;
	s9 =	sld [smem:$0x3FB5]  }
0x2f: {  	lr =	sadd.s32 s0, s3;
	s0 =	sld [smem:$0x3FAC]  }
0x30: {  	s3 =	sld [smem:$0x3FAF]  }
0x31: {  	[smem:$0x3FB8] =	sst s10  }
0x32: {  	s10 =	sld [smem:$0x3FB6];
	_ =	sdelay $0x3  }
0x33: {  	p0 =	seq.s32 s10, $0x1;
	s10 =	sld [smem:$0x3FB8];
	_ =	sdelay $0x3  }
0x34: {  	[smem:$0x3FB8] =	sst s10  }
0x35: {  	s10 =	sld [smem:$0x3FB7];
	_ =	sdelay $0x3  }
0x36: {  	p1 =	seq.s32 s10, $0x1;
	s10 =	sld [smem:$0x3FB8];
	_ =	sdelay $0x3  }
0x37: {  	[smem:$0x3FB8] =	sst s10  }
0x38: {  	s10 =	sld [smem:$0x3FB9]  }
0x39: {  	_ = 	snop;
	(pc) =	sbr.ind lr, $3  }
0x3a: {  	_ = 	snop  }
0x3b: {  	_ = 	snop  }
0x3c: {  	p2 =	seq.s32 s10, $0x1;
	s10 =	sld [smem:$0x3FB8]  }
0x3d: {  	_ =	shalt  }
0x3e: {  	_ =	shalt  }
0x3f: {  	_ =	shalt  }
0x40: {  	_ =	shalt  }
0x41: {  	_ =	shalt  }
0x42: {  	_ =	shalt  }
0x43: {  	_ =	shalt  }
0x44: {  	_ =	shalt  }
0x45: {  	_ =	shalt  }
0x46: {  	_ =	shalt  }
0x47: {  	_ =	shalt  }
0x48: {  	_ =	shalt  }
0x49: {  	_ =	shalt  }
0x4a: {  	_ =	shalt  }
0x4b: {  	_ =	shalt  }
0x4c: {  	_ =	shalt  }
0x4d: {  	_ =	shalt  }
0x4e: {  	_ =	shalt  }
0x4f: {  	_ =	shalt  }
0x50: {  	_ =	shalt  }
0x51: {  	_ =	shalt  }
0x52: {  	_ =	shalt  }
0x53: {  	_ =	shalt  }
0x54: {  	_ =	shalt  }
0x55: {  	_ =	shalt  }
0x56: {  	_ =	shalt  }
0x57: {  	_ =	shalt  }
0x58: {  	_ =	shalt  }
0x59: {  	_ =	shalt  }
0x5a: {  	_ =	shalt  }
0x5b: {  	_ =	shalt  }
0x5c: {  	_ =	shalt  }
0x5d: {  	_ =	shalt  }
0x5e: {  	_ =	shalt  }
0x5f: {  	_ =	shalt  }
0x60: {  	_ =	shalt  }
0x61: {  	_ =	shalt  }
0x62: {  	_ =	shalt  }
0x63: {  	_ =	shalt  }
0x64: {  	_ =	shalt  }
0x65: {  	_ =	shalt  }
0x66: {  	_ =	shalt  }
0x67: {  	_ =	shalt  }
0x68: {  	_ =	shalt  }
0x69: {  	_ =	shalt  }
0x6a: {  	_ =	shalt  }
0x6b: {  	_ =	shalt  }
0x6c: {  	_ =	shalt  }
0x6d: {  	_ =	shalt  }
0x6e: {  	_ =	shalt  }
0x6f: {  	_ =	shalt  }
0x70: {  	_ =	shalt  }
0x71: {  	_ =	shalt  }
0x72: {  	_ =	shalt  }
0x73: {  	_ =	shalt  }
0x74: {  	_ =	shalt  }
0x75: {  	_ =	shalt  }
0x76: {  	_ =	shalt  }
0x77: {  	_ =	shalt  }
0x78: {  	_ =	shalt  }
0x79: {  	_ =	shalt  }
0x7a: {  	_ =	shalt  }
0x7b: {  	_ =	shalt  }
0x7c: {  	_ =	shalt  }
0x7d: {  	_ =	shalt  }
0x7e: {  	_ =	shalt  }
0x7f: {  	_ =	shalt  }
0x80: {  	_ =	shalt  }
0x81: {  	_ =	shalt  }
0x82: {  	_ =	shalt  }
0x83: {  	_ =	shalt  }
0x84: {  	_ =	shalt  }
0x85: {  	_ =	shalt  }
0x86: {  	_ =	shalt  }
0x87: {  	_ =	shalt  }
.Lfunc_end0:
.L_simem_size_0:
called_computation_lowered:
.L_overlay_start_0:
0x88: {  	s2 =	sld [smem:$0x3FD9]  }
0x89: {  	s3 =	sld [smem:$0x3FFE];
	_ =	sdelay $0x1  }
0x8a: {  	s1 =	srdreg.scid  }
0x8b: {  	s0 =	sand.u32 $0x1, s1  }
0x8c: {  	s17 =	sshll.u32 s0, $0xA;
	s2 =	sadd.s32 s3, s2  }
0x8d: {  	s2 =	sadd.s32 s2, s17  }
0x8e: {  	[smem:$0x3FC4] =	sst s2  }
0x8f: {  	_ = 	snop  }
0x90: {  	s2 =	sld [smem:$0x3FC9]  }
0x91: {  	s18 =	sld [smem:$0x3FC8]  }
0x92: {  	s4 =	sld [smem:$0x3FD0];
	(tm) =	ssettm $0x1  }
0x93: {  	s5 =	sld [smem:$0x3FFB];
	_ =	sdelay $0x3  }
0x94: {  	_ =	strace s5  }
0x95: {  	s5 =	sld [smem:$0x3FFC];
	_ =	sdelay $0x3  }
0x96: {  	_ =	strace s5  }
0x97: {  	s5 =	sld [smem:$0x3FFD];
	_ =	sdelay $0x3  }
0x98: {  	_ =	strace s5  }
0x99: {  	_ =	strace $0x8FFFFFFF  }
0x9a: {  	s19 =	sld [smem:$0x3FDB];
	_ =	sdelay $0x1  }
0x9b: {  	s6 =	simm.s32 $_scs_section_size  }
0x9c: {  	s7 =	simm.s32 $_size__tile_overlayer_lowered;
	s8 =	simm.s32 $_tile_overlayer_lowered  }
0x9d: {  	s22 =	simm.s32 $0x1BFF;
	s21 =	sshll.u32 s8, $0x1;
	s5 =	sadd.s32 s6, s19  }
0x9e: {  	s9 =	simm.s32 $0x0;
	s20 =	sshll.u32 s7, $0x1;
	s7 =	sadd.s32 s21, s5  }
0x9f: {  	[timem:s9], [sflag:s22] =	dma.local [hbm:s7], s20  }
0xa0: {  	_ =	swait.ge [sflag:s22], s20  }
0xa1: {  	s6 =	ssub.s32 $0x0, s20;
	[sflag:s22] =	ssyncset.done $0x0  }
0xa2: {  	[sflag:s22] =	ssyncadd.s32 s6;
	_ =	sdelay $0x1  }
0xa3: {  	s23 =	simm.s32 $0x1B8B  }
0xa4: {  	_ =	swait.ge [sflag:s23], $0x1  }
0xa5: {  	[sflag:s23] =	ssyncset.done $0x0  }
0xa6: {  	s25 =	simm.s32 $0x1B8E;
	s24 =	sld [smem:$0x3FFE];
	[sflag:s23] =	ssyncadd.s32 $0xFFFFFFFF  }
0xa7: {  	s26 =	simm.s32 $execute0_lowered;
	[smem:$0x3FD2] =	sst s25  }
0xa8: {  	s7 =	sshll.u32 s26, $0x1;
	_ =	strace $0x80000046;
	[dreg:$0x1] =	wrdreg $0xFFFFFFFF  }
0xa9: {  	s28 =	simm.s32 $_size_execute0_lowered;
	s5 =	sadd.s32 s5, s7;
	[dreg:$0x0] =	wrdreg $0x0  }
0xaa: {  	s7 =	sshll.u32 s28, $0x1;
	[dreg:$0x2] =	wrdreg s5  }
0xab: {  	[dreg:$0x3] =	wrdreg s7  }
0xac: {  	[dreg:$0x4] =	wrdreg $0xC0  }
0xad: {  	_ =	task [dreg:s9], $0x5FFFF  }
0xae: {  	[dreg:$0x1] =	wrdreg $0xFFFFFFFF  }
0xaf: {  	[dreg:$0x0] =	wrdreg $0x60  }
0xb0: {  	[dreg:$0x2] =	wrdreg s24  }
0xb1: {  	[dreg:$0x3] =	wrdreg s2  }
0xb2: {  	[dreg:$0x4] =	wrdreg s18  }
0xb3: {  	[dreg:$0x5] =	wrdreg s4  }
0xb4: {  	[dreg:$0x6] =	wrdreg $0x0  }
0xb5: {  	[dreg:$0x7] =	wrdreg $0x9  }
0xb6: {  	_ =	task.clear_ibuf [dreg:s9], $0x8FFFF;
	_ =	strace $0x90000046  }
0xb7: {  	s29 =	simm.s32 $0x9;
	_ =	strace $0x80000048  }
0xb8: {  	_ =	swait.ge [sflag:s29], $0x1  }
0xb9: {  	[sflag:s29] =	ssyncadd.s32 $0xFFFFFFFF  }
0xba: {  	_ =	strace $0x90000048  }
0xbb: {  	_ =	sfence  }
0xbc: {  	s30 =	sld [smem:$0x0];
	_ =	sdelay $0x2  }
0xbd: {  	s31 =	sshll.u32 s1, $0xD;
	s1 =	sshrl.u32 s1, $0x2  }
0xbe: {  	s3 =	sand.u32 $0x4000, s31;
	s1 =	sadd.s32 s1, s30  }
0xbf: {  	s0 =	sor.u32 s3, s0;
	s1 =	sshll.u32 s1, $0x11  }
0xc0: {  	s0 =	sor.u32 s1, s0  }
0xc1: {  	s0 =	sadd.s32 $0x8F2B, s0  }
0xc2: {  	[sflag:s0] =	ssyncadd.remote.s32 $0x1  }
0xc3: {  	_ =	sfence.sel $0xFFFF  }
0xc4: {  	[dreg:$0x0] =	wrdreg $0xFFFFFFFF;
	(pc) =	sbr.abs _section_cstart, $3  }
0xc5: {  	[dreg:$0x1] =	wrdreg $0xFFFFFFFF  }
0xc6: {  	_ =	task.clear_ibuf [dreg:s9], $0x2FFFF;
	_ =	strace $0x9FFFFFFF  }
0xc7: {  	(tm) =	ssettm $0x7FFFFFFF  }
tec
execute0_lowered:
.L_overlay_start_1:
0x0: {  	(tag) =	ssettag $0x1  }
0x1: {  	s0 =	rddreg [dreg:$0x0]  }
0x2: {  	s1 =	rddreg [dreg:$0x1]  }
0x3: {  	s4 =	rddreg [dreg:$0x2];
	s2 =	srdreg.scid  }
0x4: {  	s5 =	rddreg [dreg:$0x3];
	s11 =	stileid.u32  }
0x5: {  	s3 =	simm.s32 $0x0;
	s28 =	simm.s32 $0x1000;
	s29 =	simm.s32 $0x20000  }
0x6: {  	s31 =	simm.s32 $0x2;
	s30 =	simm.s32 $0x1;
	s6 =	sand.u32 $0x1, s2  }
0x7: {  	s2 =	rddreg [dreg:$0x4];
	s9 =	smul.u32 $0xF440, s11;
	s10 =	sadd.s32 $0x400, s0  }
0x8: {  	s12 =	sshll.u32 s11, $0xA;
	[smem:$0x7FF] =	sst s3;
	s7 =	ssub.s32 $0x2, s6  }
0x9: {  	s6 =	sshll.u32 s6, $0x9;
	s8 =	sshrl.u32 s7, $0x1;
	s16 =	sadd.s32 $0x1E88, s9  }
0xa: {  	s6 =	sor.u32 s6, s12;
	s13 =	sshrl.u32 s9, $0x3;
	s17 =	sadd.s32 $0x3D10, s9  }
0xb: {  	s18 =	sadd.s32 $0x5B98, s9;
	s19 =	sadd.s32 $0x7A20, s9;
	s7 =	ssub.s32 s7, s8  }
0xc: {  	s14 =	sshrl.u32 s16, $0x3;
	s8 =	sadd.s32 s10, s13;
	s20 =	sshrl.u32 s17, $0x3  }
0xd: {  	s21 =	sshrl.u32 s18, $0x3;
	s12 =	sshrl.u32 s19, $0x3;
	s13 =	sadd.s32 s1, s6  }
0xe: {  	s16 =	sadd.s32 s16, s2;
	s17 =	sadd.s32 s17, s2;
	s18 =	sadd.s32 s18, s2  }
0xf: {  	s19 =	sadd.s32 s19, s2;
	s26 =	sshrl.u32 s6, $0x3;
	s1 =	simm.s32 $0x0  }
0x10: {  	[dreg:$0x6] =	wrdreg s8;
	s15 =	sadd.s32 s10, s14;
	s11 =	sadd.s32 s10, s20  }
0x11: {  	s22 =	sadd.s32 s10, s12;
	s20 =	sadd.s32 $0x98A8, s9;
	[dreg:$0x7] =	wrdreg s15  }
0x12: {  	s12 =	sadd.s32 $0x1EE00, s0;
	s14 =	sadd.s32 s4, s6;
	[dreg:$0x8] =	wrdreg s11  }
0x13: {  	s0 =	simm.s32 $0x80;
	s11 =	sadd.s32 s10, s21;
	[dreg:$0xa] =	wrdreg s22  }
0x14: {  	s23 =	sshrl.u32 s20, $0x3;
	s21 =	sadd.s32 $0xB730, s9;
	s22 =	sadd.s32 $0xD5B8, s9  }
0x15: {  	s15 =	sadd.s32 s9, s2;
	s20 =	sadd.s32 s20, s2;
	[dreg:$0x9] =	wrdreg s11  }
0x16: {  	s11 =	sadd.s32 s10, s23;
	s24 =	sshrl.u32 s21, $0x3;
	s25 =	sshrl.u32 s22, $0x3  }
0x17: {  	s21 =	sadd.s32 s21, s2;
	[dreg:$0xb] =	wrdreg s11;
	s11 =	sadd.s32 s10, s24  }
0x18: {  	s22 =	sadd.s32 s22, s2;
	s10 =	sadd.s32 s10, s25;
	[dreg:$0xc] =	wrdreg s11  }
0x19: {  	s23 =	sadd.s32 s5, s26;
	s26 =	simm.s32 $0x11340;
	[dreg:$0xd] =	wrdreg s10  }
0x1a: {  	s24 =	smax.u32 s7, $0x1;
	s25 =	simm.s32 $0xF440;
	_ =	strace $0x80000047  }
.LBB2_1:
0x1b: {  	s4 =	rddreg [dreg:$0x6]  }
0x1c: {  	[tilespmem:s25], [sflag:$0x1] =	stream.linear.gather [hbm4b:s4+s3], $0x1E88, $0x38;
	[tilespmem:$0x1F4C0] =	vst v63  }
0x1d: {  	s8 =	rddreg [dreg:$0x7]  }
0x1e: {  	[tilespmem:s26], [sflag:$0x1] =	stream.linear.gather [hbm4b:s8+s3], $0x1E88, $0x38;
	[tilespmem:$0x1F4C0] =	vst v63  }
0x1f: {  	s9 =	simm.s32 $0x13240  }
0x20: {  	[tilespmem:s9], [sflag:$0x2] =	stream.strided.gather [hbm4b:s13+s28], $0x4000, s29, s28, $0x38;
	[tilespmem:$0x1F4C0] =	vst v63  }
0x21: {  	_ =	swait.ge [sflag:s31], $0x4000  }
0x22: {  	[sflag:s31] =	ssyncset.done $0x0  }
0x23: {  	s10 =	simm.s32 $0x17240;
	[sflag:s31] =	ssyncadd.s32 $0xFFFFC000  }
0x24: {  	[tilespmem:s10], [sflag:$0x2] =	stream.strided.gather [hbm4b:s14+s28], $0x4000, s29, s28, $0x38;
	[tilespmem:$0x1F4C0] =	vst v63  }
0x25: {  	_ =	swait.ge [sflag:s31], $0x4000  }
0x26: {  	[sflag:s31] =	ssyncset.done $0x0  }
0x27: {  	s11 =	simm.s32 $0x1F240;
	[sflag:s31] =	ssyncadd.s32 $0xFFFFC000  }
0x28: {  	[tilespmem:s11], [sflag:$0x2] =	stream.linear.gather [hbm4b:s12+s3], $0x80, $0x38;
	[tilespmem:$0x1F4C0] =	vst v63  }
0x29: {  	_ =	swait.ge [sflag:s31], $0x80  }
0x2a: {  	[sflag:s31] =	ssyncset.done $0x0  }
0x2b: {  	[sflag:s31] =	ssyncadd.s32 $0xFFFFFF80  }
0x2c: {  	_ =	swait.ge [sflag:s30], $0x1E88  }
0x2d: {  	[sflag:s30] =	ssyncset.done $0x0  }
0x2e: {  	[sflag:s30] =	ssyncadd.s32 $0xFFFFE178  }
0x2f: {  	[spmem:s15] =	stream.linear.scatter [tilespmem:s25], [sflag:$0x2], $0x1E88, $0x38;
	[tilespmem:$0x1F4C0] =	vst v63  }
0x30: {  	_ =	swait.ge [sflag:s31], $0x1E88  }
0x31: {  	[sflag:s31] =	ssyncset.done $0x0  }
0x32: {  	s5 =	rddreg [dreg:$0x8];
	[sflag:s31] =	ssyncadd.s32 $0xFFFFE178  }
0x33: {  	[tilespmem:s25], [sflag:$0x1] =	stream.linear.gather [hbm4b:s5+s3], $0x1E88, $0x38;
	[tilespmem:$0x1F4C0] =	vst v63  }
0x34: {  	_ =	swait.ge [sflag:s30], $0x1E88  }
0x35: {  	[sflag:s30] =	ssyncset.done $0x0  }
0x36: {  	[sflag:s30] =	ssyncadd.s32 $0xFFFFE178  }
0x37: {  	[spmem:s16] =	stream.linear.scatter [tilespmem:s26], [sflag:$0x2], $0x1E88, $0x38;
	[tilespmem:$0x1F4C0] =	vst v63  }
0x38: {  	_ =	swait.ge [sflag:s31], $0x1E88  }
0x39: {  	[sflag:s31] =	ssyncset.done $0x0  }
0x3a: {  	s6 =	rddreg [dreg:$0x9];
	[sflag:s31] =	ssyncadd.s32 $0xFFFFE178  }
0x3b: {  	[tilespmem:s26], [sflag:$0x1] =	stream.linear.gather [hbm4b:s6+s3], $0x1E88, $0x38;
	[tilespmem:$0x1F4C0] =	vst v63  }
0x3c: {  	_ =	swait.ge [sflag:s30], $0x1E88  }
0x3d: {  	[sflag:s30] =	ssyncset.done $0x0  }
0x3e: {  	[sflag:s30] =	ssyncadd.s32 $0xFFFFE178  }
0x3f: {  	[spmem:s17] =	stream.linear.scatter [tilespmem:s25], [sflag:$0x2], $0x1E88, $0x38;
	[tilespmem:$0x1F4C0] =	vst v63  }
0x40: {  	_ =	swait.ge [sflag:s31], $0x1E88  }
0x41: {  	[sflag:s31] =	ssyncset.done $0x0  }
0x42: {  	s7 =	rddreg [dreg:$0xa];
	[sflag:s31] =	ssyncadd.s32 $0xFFFFE178  }
0x43: {  	[tilespmem:s25], [sflag:$0x1] =	stream.linear.gather [hbm4b:s7+s3], $0x1E88, $0x38;
	[tilespmem:$0x1F4C0] =	vst v63  }
0x44: {  	_ =	swait.ge [sflag:s30], $0x1E88  }
0x45: {  	[sflag:s30] =	ssyncset.done $0x0  }
0x46: {  	[sflag:s30] =	ssyncadd.s32 $0xFFFFE178  }
0x47: {  	[spmem:s18] =	stream.linear.scatter [tilespmem:s26], [sflag:$0x2], $0x1E88, $0x38;
	[tilespmem:$0x1F4C0] =	vst v63  }
0x48: {  	_ =	swait.ge [sflag:s31], $0x1E88  }
0x49: {  	[sflag:s31] =	ssyncset.done $0x0  }
0x4a: {  	s8 =	rddreg [dreg:$0xb];
	[sflag:s31] =	ssyncadd.s32 $0xFFFFE178  }
0x4b: {  	[tilespmem:s26], [sflag:$0x1] =	stream.linear.gather [hbm4b:s8+s3], $0x1E88, $0x38;
	[tilespmem:$0x1F4C0] =	vst v63  }
0x4c: {  	_ =	swait.ge [sflag:s30], $0x1E88  }
0x4d: {  	[sflag:s30] =	ssyncset.done $0x0  }
0x4e: {  	[sflag:s30] =	ssyncadd.s32 $0xFFFFE178  }
0x4f: {  	[spmem:s19] =	stream.linear.scatter [tilespmem:s25], [sflag:$0x2], $0x1E88, $0x38;
	[tilespmem:$0x1F4C0] =	vst v63  }
0x50: {  	_ =	swait.ge [sflag:s31], $0x1E88  }
0x51: {  	[sflag:s31] =	ssyncset.done $0x0  }
0x52: {  	s9 =	rddreg [dreg:$0xc];
	[sflag:s31] =	ssyncadd.s32 $0xFFFFE178  }
0x53: {  	[tilespmem:s25], [sflag:$0x1] =	stream.linear.gather [hbm4b:s9+s3], $0x1E88, $0x38;
	[tilespmem:$0x1F4C0] =	vst v63  }
0x54: {  	_ =	swait.ge [sflag:s30], $0x1E88  }
0x55: {  	[sflag:s30] =	ssyncset.done $0x0  }
0x56: {  	[sflag:s30] =	ssyncadd.s32 $0xFFFFE178  }
0x57: {  	[spmem:s20] =	stream.linear.scatter [tilespmem:s26], [sflag:$0x2], $0x1E88, $0x38;
	[tilespmem:$0x1F4C0] =	vst v63  }
0x58: {  	_ =	swait.ge [sflag:s31], $0x1E88  }
0x59: {  	[sflag:s31] =	ssyncset.done $0x0  }
0x5a: {  	s10 =	rddreg [dreg:$0xd];
	[sflag:s31] =	ssyncadd.s32 $0xFFFFE178  }
0x5b: {  	[tilespmem:s26], [sflag:$0x1] =	stream.linear.gather [hbm4b:s10+s3], $0x1E88, $0x38;
	[tilespmem:$0x1F4C0] =	vst v63  }
0x5c: {  	_ =	swait.ge [sflag:s30], $0x1E88  }
0x5d: {  	[sflag:s30] =	ssyncset.done $0x0  }
0x5e: {  	[sflag:s30] =	ssyncadd.s32 $0xFFFFE178  }
0x5f: {  	[spmem:s21] =	stream.linear.scatter [tilespmem:s25], [sflag:$0x2], $0x1E88, $0x38;
	[tilespmem:$0x1F4C0] =	vst v63  }
0x60: {  	_ =	swait.ge [sflag:s31], $0x1E88  }
0x61: {  	[sflag:s31] =	ssyncset.done $0x0  }
0x62: {  	[sflag:s31] =	ssyncadd.s32 $0xFFFFE178  }
0x63: {  	_ =	swait.ge [sflag:s30], $0x1E88  }
0x64: {  	[sflag:s30] =	ssyncset.done $0x0  }
0x65: {  	[sflag:s30] =	ssyncadd.s32 $0xFFFFE178  }
0x66: {  	[spmem:s22] =	stream.linear.scatter [tilespmem:s26], [sflag:$0x2], $0x1E88, $0x38;
	[tilespmem:$0x1F4C0] =	vst v63  }
0x67: {  	_ =	swait.ge [sflag:s31], $0x1E88  }
0x68: {  	s4 =	simm.s32 $0x0;
	[sflag:s31] =	ssyncset.done $0x0  }
0x69: {  	s11 =	sand.u32 $0x380, s3;
	s7 =	sand.u32 $0x3000, s3;
	[sflag:s31] =	ssyncadd.s32 $0xFFFFE178  }
0x6a: {  	s5 =	simm.s32 $0x200;
	s6 =	sor.u32 s11, s7;
	[bflag:$0x0] =	sbarrier.arrive $0xFFFF  }
.LBB2_2:
0x6b: {  	p0 =	sne.s32 s5, $0x3200  }
0x6c: {  	s8 =	sadd.s32 $0x1B240, s6;
	s9 =	sadd.s32 $0x13240, s6;
	s10 =	sadd.s32 $0x1B640, s6  }
0x6d: {  	[tilespmem:s8], [sflag:$0x1] =	stream.indirect.gather [spmem:s2], $0x1, s9, s0, $0xb8;
	[tilespmem:$0x1F4C0] =	vst v63  }
0x6e: {  	s8 =	sand.u32 $0x3000, s5;
	s9 =	smov.u32 s4;
	s4 =	sadd.s32 $0x80, s4  }
0x6f: {  	s11 =	sadd.s32 $0x13640, s6;
	s7 =	sor.u32 s7, s9;
	s9 =	sadd.s32 $0x1BA40, s6  }
0x70: {  	[tilespmem:s10], [sflag:$0x1] =	stream.indirect.gather [spmem:s2], $0x1, s11, s0, $0xb8;
	[tilespmem:$0x1F4C0] =	vst v63  }
.Ltmp0:
0x71: {  	s6 =	sadd.s32 $0x13A40, s6;
	s7 =	sor.u32 $0xC00, s7;
	(pc) =	sbr.rel @p0 .LBB2_2-.Ltmp0, $4  }
0x72: {  	[tilespmem:s9], [sflag:$0x1] =	stream.indirect.gather [spmem:s2], $0x1, s6, s0, $0xb8;
	[tilespmem:$0x1F4C0] =	vst v63  }
0x73: {  	s6 =	sand.u32 $0x380, s4;
	s9 =	sadd.s32 $0x1B240, s7;
	s7 =	sadd.s32 $0x13240, s7  }
0x74: {  	[tilespmem:s9], [sflag:$0x1] =	stream.indirect.gather [spmem:s2], $0x1, s7, s0, $0xb8;
	[tilespmem:$0x1F4C0] =	vst v63  }
0x75: {  	s5 =	sadd.s32 $0x200, s5;
	s6 =	sor.u32 s6, s8;
	s7 =	smov.u32 s8  }
0x76: {  	s5 =	sadd.s32 $0x1B240, s6;
	s8 =	sadd.s32 $0x13240, s6  }
0x77: {  	[tilespmem:s5], [sflag:$0x1] =	stream.indirect.gather [spmem:s2], $0x1, s8, s0, $0xb8;
	[tilespmem:$0x1F4C0] =	vst v63  }
0x78: {  	s10 =	sadd.s32 $0x1B640, s6;
	s11 =	sadd.s32 $0x13640, s6;
	s4 =	sor.u32 s7, s4  }
0x79: {  	[tilespmem:s10], [sflag:$0x1] =	stream.indirect.gather [spmem:s2], $0x1, s11, s0, $0xb8;
	[tilespmem:$0x1F4C0] =	vst v63  }
0x7a: {  	s9 =	sadd.s32 $0x1BA40, s6;
	s4 =	sor.u32 $0xC00, s4;
	s10 =	sadd.s32 $0x13A40, s6  }
0x7b: {  	[tilespmem:s9], [sflag:$0x1] =	stream.indirect.gather [spmem:s2], $0x1, s10, s0, $0xb8;
	[tilespmem:$0x1F4C0] =	vst v63  }
0x7c: {  	s11 =	sadd.s32 $0x1B240, s4;
	s4 =	sadd.s32 $0x13240, s4  }
0x7d: {  	[tilespmem:s11], [sflag:$0x1] =	stream.indirect.gather [spmem:s2], $0x1, s4, s0, $0xb8;
	[tilespmem:$0x1F4C0] =	vst v63  }
0x7e: {  	_ =	swait.ge [sflag:s30], $0x80  }
0x7f: {  	[sflag:s30] =	ssyncset.done $0x0  }
0x80: {  	[sflag:s30] =	ssyncadd.s32 $0xFFFFFF80  }
0x81: {  	_ =	swait.ge [sflag:s30], $0x80  }
0x82: {  	[sflag:s30] =	ssyncset.done $0x0  }
0x83: {  	[sflag:s30] =	ssyncadd.s32 $0xFFFFFF80  }
0x84: {  	_ =	swait.ge [sflag:s30], $0x80  }
0x85: {  	[sflag:s30] =	ssyncset.done $0x0  }
0x86: {  	[sflag:s30] =	ssyncadd.s32 $0xFFFFFF80  }
0x87: {  	_ =	swait.ge [sflag:s30], $0x80  }
0x88: {  	s4 =	simm.s32 $0x19;
	[sflag:s30] =	ssyncset.done $0x0  }
.LBB2_4:
0x89: {  	p0 =	sne.s32 s4, $0x1;
	s4 =	sadd.s32 $0xFFFFFFFF, s4;
	[sflag:s30] =	ssyncadd.s32 $0xFFFFFF80  }
0x8a: {  	_ =	swait.ge [sflag:s30], $0x80  }
0x8b: {  	[sflag:s30] =	ssyncset.done $0x0  }
0x8c: {  	[sflag:s30] =	ssyncadd.s32 $0xFFFFFF80  }
0x8d: {  	_ =	swait.ge [sflag:s30], $0x80  }
0x8e: {  	[sflag:s30] =	ssyncset.done $0x0  }
0x8f: {  	[sflag:s30] =	ssyncadd.s32 $0xFFFFFF80  }
.Ltmp1:
0x90: {  	_ =	swait.ge [sflag:s30], $0x80;
	(pc) =	sbr.rel @p0 .LBB2_4-.Ltmp1, $4  }
0x91: {  	[sflag:s30] =	ssyncset.done $0x0  }
0x92: {  	[sflag:s30] =	ssyncadd.s32 $0xFFFFFF80  }
0x93: {  	_ =	swait.ge [sflag:s30], $0x80  }
0x94: {  	[sflag:s30] =	ssyncset.done $0x0  }
0x95: {  	s6 =	simm.s32 $0x0  }
0x96: {  	[sflag:s30] =	ssyncadd.s32 $0xFFFFFF80;
	s4 =	sand.u32 $0x70, s6;
	s5 =	sand.u32 $0xC00, s6  }
0x97: {  	v0 =	vld [tilespmem:$0x1F240];
	s4 =	sor.u32 s4, s5  }
0x98: {  	v1 =	vld [tilespmem:s4+$0x17240]  }
0x99: {  	v2 =	vld [tilespmem:s4+$0x1B240]  }
0x9a: {  	v3 =	vld [tilespmem:s4+$0x1B2C0]  }
0x9b: {  	s10 =	sand.u32 $0xFFFFFC00, s6;
	v4 =	vld [tilespmem:s4+$0x172C0]  }
0x9c: {  	s5 =	sadd.s32 $0x0, s10;
	v5 =	vld [tilespmem:s4+$0x1B340]  }
0x9d: {  	v6 =	vld [tilespmem:s4+$0x17340];
	s7 =	sor.u32 $0x180, s5  }
0x9e: {  	v7 =	vld [tilespmem:s7+$0x17240];
	v1 =	vmul.f32 v1, v2  }
0x9f: {  	v2 =	vld [tilespmem:s7+$0x1B240]  }
0xa0: {  	v28 =	vld [tilespmem:s4+$0x1B440];
	v3 =	vmul.f32 v4, v3;
	v1 =	vadd.f32 v1, v0  }
0xa1: {  	v8 =	vld [tilespmem:s4+$0x17440]  }
0xa2: {  	v29 =	vld [tilespmem:s4+$0x1B4C0];
	v1 =	vadd.f32 v3, v1;
	v3 =	vmul.f32 v6, v5  }
0xa3: {  	v30 =	vld [tilespmem:s4+$0x174C0]  }
0xa4: {  	s6 =	sor.u32 s6, s6;
	v31 =	vld [tilespmem:s4+$0x17540];
	v2 =	vmul.f32 v7, v2;
	v1 =	vadd.f32 v3, v1  }
0xa5: {  	s11 =	sor.u32 $0x380, s6;
	v3 =	vld [tilespmem:s4+$0x1B540]  }
0xa6: {  	v32 =	vld [tilespmem:s11+$0x1B240];
	v1 =	vadd.f32 v2, v1;
	v2 =	vmul.f32 v8, v28  }
0xa7: {  	v33 =	vld [tilespmem:s11+$0x17240]  }
0xa8: {  	v34 =	vld [tilespmem:s4+$0x1C240];
	v1 =	vadd.f32 v2, v1;
	v2 =	vmul.f32 v30, v29  }
0xa9: {  	v35 =	vld [tilespmem:s4+$0x18240]  }
0xaa: {  	v36 =	vld [tilespmem:s4+$0x182C0];
	v1 =	vadd.f32 v2, v1;
	v2 =	vmul.f32 v31, v3  }
0xab: {  	v3 =	vld [tilespmem:s4+$0x1C2C0]  }
0xac: {  	v37 =	vld [tilespmem:s4+$0x1C340];
	v1 =	vadd.f32 v2, v1;
	v2 =	vmul.f32 v33, v32  }
0xad: {  	v38 =	vld [tilespmem:s4+$0x18340];
	s8 =	sor.u32 $0x1180, s5  }
0xae: {  	v39 =	vld [tilespmem:s8+$0x1B240];
	v1 =	vadd.f32 v2, v1;
	v2 =	vmul.f32 v35, v34  }
0xaf: {  	v40 =	vld [tilespmem:s8+$0x17240]  }
0xb0: {  	v41 =	vld [tilespmem:s4+$0x18440];
	v1 =	vadd.f32 v2, v1;
	v2 =	vmul.f32 v36, v3  }
0xb1: {  	v3 =	vld [tilespmem:s4+$0x1C440]  }
0xb2: {  	v42 =	vld [tilespmem:s4+$0x1C4C0];
	v1 =	vadd.f32 v2, v1;
	v2 =	vmul.f32 v38, v37  }
0xb3: {  	v43 =	vld [tilespmem:s4+$0x184C0]  }
0xb4: {  	v44 =	vld [tilespmem:s4+$0x1C540];
	v1 =	vadd.f32 v2, v1;
	v2 =	vmul.f32 v40, v39  }
0xb5: {  	s9 =	sor.u32 $0x1380, s6;
	v45 =	vld [tilespmem:s4+$0x18540]  }
0xb6: {  	v46 =	vld [tilespmem:s9+$0x17240];
	v1 =	vadd.f32 v2, v1;
	v2 =	vmul.f32 v41, v3  }
0xb7: {  	v3 =	vld [tilespmem:s9+$0x1B240]  }
0xb8: {  	v47 =	vld [tilespmem:s4+$0x1D240];
	v1 =	vadd.f32 v2, v1;
	v2 =	vmul.f32 v43, v42  }
0xb9: {  	v48 =	vld [tilespmem:s4+$0x19240]  }
0xba: {  	v49 =	vld [tilespmem:s4+$0x1D2C0];
	v1 =	vadd.f32 v2, v1;
	v2 =	vmul.f32 v45, v44  }
0xbb: {  	v50 =	vld [tilespmem:s4+$0x192C0]  }
0xbc: {  	v51 =	vld [tilespmem:s4+$0x19340];
	v1 =	vadd.f32 v2, v1;
	v2 =	vmul.f32 v46, v3  }
0xbd: {  	s5 =	sor.u32 $0x2180, s5;
	v3 =	vld [tilespmem:s4+$0x1D340]  }
0xbe: {  	v52 =	vld [tilespmem:s5+$0x1B240];
	v1 =	vadd.f32 v2, v1;
	v2 =	vmul.f32 v48, v47  }
0xbf: {  	v53 =	vld [tilespmem:s5+$0x17240]  }
0xc0: {  	v54 =	vld [tilespmem:s4+$0x1D440];
	v1 =	vadd.f32 v2, v1;
	v2 =	vmul.f32 v50, v49  }
0xc1: {  	v55 =	vld [tilespmem:s4+$0x19440]  }
0xc2: {  	v56 =	vld [tilespmem:s4+$0x194C0];
	v1 =	vadd.f32 v2, v1;
	v2 =	vmul.f32 v51, v3  }
0xc3: {  	v3 =	vld [tilespmem:s4+$0x1D4C0]  }
0xc4: {  	v57 =	vld [tilespmem:s4+$0x1D540];
	v1 =	vadd.f32 v2, v1;
	v2 =	vmul.f32 v53, v52  }
0xc5: {  	s10 =	sor.u32 $0x2380, s6;
	v58 =	vld [tilespmem:s4+$0x19540]  }
0xc6: {  	v59 =	vld [tilespmem:s10+$0x1B240];
	v1 =	vadd.f32 v2, v1;
	v2 =	vmul.f32 v55, v54  }
0xc7: {  	v60 =	vld [tilespmem:s10+$0x17240]  }
0xc8: {  	v61 =	vld [tilespmem:s4+$0x1A240];
	v1 =	vadd.f32 v2, v1;
	v2 =	vmul.f32 v56, v3  }
0xc9: {  	v3 =	vld [tilespmem:s4+$0x1E240]  }
0xca: {  	v62 =	vld [tilespmem:s4+$0x1E2C0];
	v1 =	vadd.f32 v2, v1;
	v2 =	vmul.f32 v58, v57  }
0xcb: {  	v63 =	vld [tilespmem:s4+$0x1A2C0]  }
0xcc: {  	v1 =	vadd.f32 v2, v1;
	v2 =	vmul.f32 v60, v59;
	_ =	sdelay $0x1  }
0xcd: {  	v1 =	vadd.f32 v2, v1;
	v2 =	vmul.f32 v61, v3;
	_ =	sdelay $0x1  }
0xce: {  	v1 =	vadd.f32 v2, v1;
	v2 =	vmul.f32 v63, v62;
	_ =	sdelay $0x1  }
0xcf: {  	s6 =	simm.s32 $0x10;
	s7 =	simm.s32 $0x80;
	v1 =	vadd.f32 v2, v1  }
0xd0: {  	s11 =	sand.u32 $0x70, s6;
	s8 =	sand.u32 $0xC00, s7;
	s4 =	simm.s32 $0x1F2C0  }
0xd1: {  	s5 =	sor.u32 s11, s8;
	s8 =	simm.s32 $0x20;
	[tilespmem:s4+$0x0] =	vst v1  }
.LBB2_6:
0xd2: {  	p0 =	sne.s32 s8, $0x1F0;
	v1 =	vld [tilespmem:s5+$0x17240]  }
0xd3: {  	v2 =	vld [tilespmem:s5+$0x1B240]  }
0xd4: {  	v3 =	vld [tilespmem:s5+$0x1B2C0]  }
0xd5: {  	s9 =	sand.u32 $0xFFFFFC00, s7;
	v4 =	vld [tilespmem:s5+$0x172C0]  }
0xd6: {  	s9 =	sadd.s32 s9, s6;
	v5 =	vld [tilespmem:s5+$0x1B340]  }
0xd7: {  	s10 =	sor.u32 $0x180, s9;
	v6 =	vld [tilespmem:s5+$0x17340]  }
0xd8: {  	v1 =	vmul.f32 v1, v2;
	v2 =	vld [tilespmem:s10+$0x1B240]  }
0xd9: {  	v7 =	vld [tilespmem:s10+$0x17240]  }
0xda: {  	v1 =	vadd.f32 v1, v0;
	v3 =	vmul.f32 v4, v3;
	v4 =	vld [tilespmem:s5+$0x1B440]  }
0xdb: {  	v8 =	vld [tilespmem:s5+$0x17440]  }
0xdc: {  	v1 =	vadd.f32 v3, v1;
	v3 =	vmul.f32 v6, v5;
	v5 =	vld [tilespmem:s5+$0x1B4C0]  }
0xdd: {  	v6 =	vld [tilespmem:s5+$0x174C0]  }
0xde: {  	s10 =	sor.u32 s6, s7;
	s6 =	smov.u32 s8;
	v1 =	vadd.f32 v3, v1;
	v2 =	vmul.f32 v7, v2;
	v3 =	vld [tilespmem:s5+$0x1B540]  }
0xdf: {  	s11 =	sor.u32 $0x380, s10;
	v7 =	vld [tilespmem:s5+$0x17540]  }
0xe0: {  	v1 =	vadd.f32 v2, v1;
	v2 =	vmul.f32 v8, v4;
	v4 =	vld [tilespmem:s11+$0x1B240]  }
0xe1: {  	v8 =	vld [tilespmem:s11+$0x17240]  }
0xe2: {  	v1 =	vadd.f32 v2, v1;
	v2 =	vmul.f32 v6, v5;
	v5 =	vld [tilespmem:s5+$0x1C240]  }
0xe3: {  	v6 =	vld [tilespmem:s5+$0x18240]  }
0xe4: {  	v1 =	vadd.f32 v2, v1;
	v2 =	vmul.f32 v7, v3;
	v3 =	vld [tilespmem:s5+$0x1C2C0]  }
0xe5: {  	v7 =	vld [tilespmem:s5+$0x182C0]  }
0xe6: {  	v1 =	vadd.f32 v2, v1;
	v2 =	vmul.f32 v8, v4;
	v4 =	vld [tilespmem:s5+$0x1C340]  }
0xe7: {  	s11 =	sor.u32 $0x1180, s9;
	v8 =	vld [tilespmem:s5+$0x18340]  }
0xe8: {  	v1 =	vadd.f32 v2, v1;
	v2 =	vmul.f32 v6, v5;
	v5 =	vld [tilespmem:s11+$0x1B240]  }
0xe9: {  	v6 =	vld [tilespmem:s11+$0x17240]  }
0xea: {  	v1 =	vadd.f32 v2, v1;
	v2 =	vmul.f32 v7, v3;
	v3 =	vld [tilespmem:s5+$0x1C440]  }
0xeb: {  	v7 =	vld [tilespmem:s5+$0x18440]  }
0xec: {  	v1 =	vadd.f32 v2, v1;
	v2 =	vmul.f32 v8, v4;
	v4 =	vld [tilespmem:s5+$0x1C4C0]  }
0xed: {  	v8 =	vld [tilespmem:s5+$0x184C0]  }
0xee: {  	v1 =	vadd.f32 v2, v1;
	v2 =	vmul.f32 v6, v5;
	v5 =	vld [tilespmem:s5+$0x1C540]  }
0xef: {  	s11 =	sor.u32 $0x1380, s10;
	v6 =	vld [tilespmem:s5+$0x18540]  }
0xf0: {  	v1 =	vadd.f32 v2, v1;
	v2 =	vmul.f32 v7, v3;
	v3 =	vld [tilespmem:s11+$0x1B240]  }
0xf1: {  	v7 =	vld [tilespmem:s11+$0x17240]  }
0xf2: {  	v1 =	vadd.f32 v2, v1;
	v2 =	vmul.f32 v8, v4;
	v4 =	vld [tilespmem:s5+$0x1D240]  }
0xf3: {  	v8 =	vld [tilespmem:s5+$0x19240]  }
0xf4: {  	v1 =	vadd.f32 v2, v1;
	v2 =	vmul.f32 v6, v5;
	v5 =	vld [tilespmem:s5+$0x1D2C0]  }
0xf5: {  	v6 =	vld [tilespmem:s5+$0x192C0]  }
0xf6: {  	v1 =	vadd.f32 v2, v1;
	v2 =	vmul.f32 v7, v3;
	v3 =	vld [tilespmem:s5+$0x1D340]  }
0xf7: {  	s9 =	sor.u32 $0x2180, s9;
	v7 =	vld [tilespmem:s5+$0x19340]  }
0xf8: {  	v1 =	vadd.f32 v2, v1;
	v2 =	vmul.f32 v8, v4;
	v4 =	vld [tilespmem:s9+$0x1B240]  }
0xf9: {  	v8 =	vld [tilespmem:s9+$0x17240]  }
0xfa: {  	v1 =	vadd.f32 v2, v1;
	v2 =	vmul.f32 v6, v5;
	v5 =	vld [tilespmem:s5+$0x1D440]  }
0xfb: {  	v6 =	vld [tilespmem:s5+$0x19440]  }
0xfc: {  	v1 =	vadd.f32 v2, v1;
	v2 =	vmul.f32 v7, v3;
	v3 =	vld [tilespmem:s5+$0x1D4C0]  }
0xfd: {  	v7 =	vld [tilespmem:s5+$0x194C0]  }
0xfe: {  	v1 =	vadd.f32 v2, v1;
	v2 =	vmul.f32 v8, v4;
	v4 =	vld [tilespmem:s5+$0x1D540]  }
0xff: {  	s9 =	sor.u32 $0x2380, s10;
	v8 =	vld [tilespmem:s5+$0x19540]  }
0x100: {  	v1 =	vadd.f32 v2, v1;
	v2 =	vmul.f32 v6, v5;
	v5 =	vld [tilespmem:s9+$0x1B240]  }
0x101: {  	v6 =	vld [tilespmem:s9+$0x17240]  }
0x102: {  	v1 =	vadd.f32 v2, v1;
	v2 =	vmul.f32 v7, v3;
	v3 =	vld [tilespmem:s5+$0x1E240]  }
0x103: {  	v7 =	vld [tilespmem:s5+$0x1A240]  }
0x104: {  	v1 =	vadd.f32 v2, v1;
	v2 =	vmul.f32 v8, v4;
	v4 =	vld [tilespmem:s5+$0x1E2C0]  }
0x105: {  	v8 =	vld [tilespmem:s5+$0x1A2C0]  }
0x106: {  	v1 =	vadd.f32 v2, v1;
	v2 =	vmul.f32 v6, v5;
	_ =	sdelay $0x1  }
0x107: {  	v1 =	vadd.f32 v2, v1;
	v2 =	vmul.f32 v7, v3;
	_ =	sdelay $0x1  }
.Ltmp2:
0x108: {  	v1 =	vadd.f32 v2, v1;
	v2 =	vmul.f32 v8, v4;
	(pc) =	sbr.rel @p0 .LBB2_6-.Ltmp2, $4  }
0x109: {  	_ = 	snop  }
0x10a: {  	s7 =	sadd.s32 $0x80, s7;
	v1 =	vadd.f32 v2, v1  }
0x10b: {  	s4 =	sadd.s32 $0x10, s4;
	s9 =	sand.u32 $0xC00, s7;
	s5 =	sand.u32 $0x70, s8  }
0x10c: {  	s8 =	sadd.s32 $0x10, s8;
	s5 =	sor.u32 s5, s9;
	[tilespmem:s4+$0x0] =	vst v1  }
0x10d: {  	v1 =	vld [tilespmem:s5+$0x17240]  }
0x10e: {  	v2 =	vld [tilespmem:s5+$0x1B240]  }
0x10f: {  	v3 =	vld [tilespmem:s5+$0x1B2C0]  }
0x110: {  	s8 =	sand.u32 $0xFFFFFC00, s7;
	v4 =	vld [tilespmem:s5+$0x172C0]  }
0x111: {  	v5 =	vld [tilespmem:s5+$0x1B340];
	s8 =	sadd.s32 s8, s6  }
0x112: {  	v6 =	vld [tilespmem:s5+$0x17340];
	s9 =	sor.u32 $0x180, s8  }
0x113: {  	v49 =	vld [tilespmem:s9+$0x1B240];
	v1 =	vmul.f32 v1, v2  }
0x114: {  	v7 =	vld [tilespmem:s9+$0x17240]  }
0x115: {  	v51 =	vld [tilespmem:s5+$0x1B440];
	v50 =	vmul.f32 v4, v3;
	v0 =	vadd.f32 v1, v0  }
0x116: {  	v52 =	vld [tilespmem:s5+$0x17440]  }
0x117: {  	v54 =	vld [tilespmem:s5+$0x1B4C0];
	v53 =	vmul.f32 v6, v5;
	v0 =	vadd.f32 v50, v0  }
0x118: {  	v55 =	vld [tilespmem:s5+$0x174C0]  }
0x119: {  	v57 =	vld [tilespmem:s5+$0x1B540];
	s6 =	sor.u32 s6, s7;
	v56 =	vmul.f32 v7, v49;
	v0 =	vadd.f32 v53, v0  }
0x11a: {  	v58 =	vld [tilespmem:s5+$0x17540];
	s7 =	sor.u32 $0x380, s6  }
0x11b: {  	v60 =	vld [tilespmem:s7+$0x1B240];
	v59 =	vmul.f32 v52, v51;
	v0 =	vadd.f32 v56, v0  }
0x11c: {  	v61 =	vld [tilespmem:s7+$0x17240]  }
0x11d: {  	v63 =	vld [tilespmem:s5+$0x1C240];
	v62 =	vmul.f32 v55, v54;
	v0 =	vadd.f32 v59, v0  }
0x11e: {  	v9 =	vld [tilespmem:s5+$0x18240]  }
0x11f: {  	v11 =	vld [tilespmem:s5+$0x1C2C0];
	v10 =	vmul.f32 v58, v57;
	v0 =	vadd.f32 v62, v0  }
0x120: {  	v12 =	vld [tilespmem:s5+$0x182C0]  }
0x121: {  	v14 =	vld [tilespmem:s5+$0x1C340];
	v13 =	vmul.f32 v61, v60;
	v0 =	vadd.f32 v10, v0  }
0x122: {  	v15 =	vld [tilespmem:s5+$0x18340];
	s11 =	sor.u32 $0x1180, s8  }
0x123: {  	v17 =	vld [tilespmem:s11+$0x1B240];
	v16 =	vmul.f32 v9, v63;
	v0 =	vadd.f32 v13, v0  }
0x124: {  	v18 =	vld [tilespmem:s11+$0x17240]  }
0x125: {  	v20 =	vld [tilespmem:s5+$0x1C440];
	v19 =	vmul.f32 v12, v11;
	v0 =	vadd.f32 v16, v0  }
0x126: {  	v21 =	vld [tilespmem:s5+$0x18440]  }
0x127: {  	v23 =	vld [tilespmem:s5+$0x1C4C0];
	v22 =	vmul.f32 v15, v14;
	v0 =	vadd.f32 v19, v0  }
0x128: {  	v24 =	vld [tilespmem:s5+$0x184C0]  }
0x129: {  	v26 =	vld [tilespmem:s5+$0x1C540];
	v25 =	vmul.f32 v18, v17;
	v0 =	vadd.f32 v22, v0  }
0x12a: {  	v27 =	vld [tilespmem:s5+$0x18540];
	s9 =	sor.u32 $0x1380, s6  }
0x12b: {  	v29 =	vld [tilespmem:s9+$0x1B240];
	v28 =	vmul.f32 v21, v20;
	v0 =	vadd.f32 v25, v0  }
0x12c: {  	v30 =	vld [tilespmem:s9+$0x17240]  }
0x12d: {  	v32 =	vld [tilespmem:s5+$0x1D240];
	v31 =	vmul.f32 v24, v23;
	v0 =	vadd.f32 v28, v0  }
0x12e: {  	v33 =	vld [tilespmem:s5+$0x19240]  }
0x12f: {  	v35 =	vld [tilespmem:s5+$0x1D2C0];
	v34 =	vmul.f32 v27, v26;
	v0 =	vadd.f32 v31, v0  }
0x130: {  	v36 =	vld [tilespmem:s5+$0x192C0]  }
0x131: {  	v38 =	vld [tilespmem:s5+$0x1D340];
	v37 =	vmul.f32 v30, v29;
	v0 =	vadd.f32 v34, v0  }
0x132: {  	v39 =	vld [tilespmem:s5+$0x19340];
	s10 =	sor.u32 $0x2180, s8  }
0x133: {  	v41 =	vld [tilespmem:s10+$0x1B240];
	v40 =	vmul.f32 v33, v32;
	v0 =	vadd.f32 v37, v0  }
0x134: {  	v42 =	vld [tilespmem:s10+$0x17240]  }
0x135: {  	v44 =	vld [tilespmem:s5+$0x1D440];
	v43 =	vmul.f32 v36, v35;
	v0 =	vadd.f32 v40, v0  }
0x136: {  	v45 =	vld [tilespmem:s5+$0x19440]  }
0x137: {  	v47 =	vld [tilespmem:s5+$0x1D4C0];
	v46 =	vmul.f32 v39, v38;
	v0 =	vadd.f32 v43, v0  }
0x138: {  	v48 =	vld [tilespmem:s5+$0x194C0]  }
0x139: {  	v51 =	vld [tilespmem:s5+$0x19540];
	v49 =	vmul.f32 v42, v41;
	v0 =	vadd.f32 v46, v0  }
0x13a: {  	s6 =	sor.u32 $0x2380, s6;
	v50 =	vld [tilespmem:s5+$0x1D540]  }
0x13b: {  	v52 =	vmul.f32 v45, v44;
	v54 =	vld [tilespmem:s6+$0x17240];
	v0 =	vadd.f32 v49, v0  }
0x13c: {  	v53 =	vld [tilespmem:s6+$0x1B240]  }
0x13d: {  	v55 =	vmul.f32 v48, v47;
	v57 =	vld [tilespmem:s5+$0x1A240];
	v0 =	vadd.f32 v52, v0  }
0x13e: {  	v56 =	vld [tilespmem:s5+$0x1E240]  }
0x13f: {  	v60 =	vld [tilespmem:s5+$0x1A2C0];
	v58 =	vmul.f32 v51, v50;
	v0 =	vadd.f32 v55, v0  }
0x140: {  	v59 =	vld [tilespmem:s5+$0x1E2C0]  }
0x141: {  	v61 =	vmul.f32 v54, v53;
	v0 =	vadd.f32 v58, v0;
	_ =	sdelay $0x1  }
0x142: {  	v62 =	vmul.f32 v57, v56;
	v0 =	vadd.f32 v61, v0;
	_ =	sdelay $0x1  }
0x143: {  	v63 =	vmul.f32 v60, v59;
	v0 =	vadd.f32 v62, v0;
	_ =	sdelay $0x1  }
0x144: {  	s1 =	sadd.s32 $0x1, s1;
	v0 =	vadd.f32 v63, v0  }
0x145: {  	s4 =	sadd.s32 $0x10, s4;
	p0 =	sne.s32 s1, s24  }
.Ltmp3:
0x146: {  	s11 =	simm.s32 $0x1F2C0;
	[tilespmem:s4+$0x0] =	vst v0;
	(pc) =	sbr.rel @p0 .LBB2_1-.Ltmp3, $4  }
0x147: {  	[hbm4b:s23+s3] =	stream.linear.scatter [tilespmem:s11], [sflag:$0x2], $0x200, $0x38;
	[tilespmem:$0x1F4C0] =	vst v63  }
0x148: {  	_ =	swait.ge [sflag:s31], $0x200  }
0x149: {  	[sflag:s31] =	ssyncset.done $0x0  }
0x14a: {  	[sflag:s31] =	ssyncadd.s32 $0xFFFFFE00  }
0x14b: {  	_ =	sfence.sel $0x180000  }
0x14c: {  	[bflag:$0x0] =	sbarrier.arrive $0xFFFF  }
0x14d: {  	_ =	strace $0x90000047  }
0x14e: {  	s0 =	stileid.u32;
	[bflag:$0x2] =	sbarrier.arrive $0xFFFF  }
0x14f: {  	p0 =	sne.s32 s0, $0x0;
	s0 =	rddreg [dreg:$0x5]  }
0x150: {  	s0 =	sadd.s32 @!p0 $0x100000, s0  }
0x151: {  	[sflag:s0] =	ssyncadd.tile.s32 @!p0 $0x1;
	_ =	shalt  }
.Lfunc_end2:
_tile_overlayer_lowered:
.L_overlay_start_2:
0x152: {  	(tag) =	ssettag $0x2  }
0x153: {  	s0 =	rddreg [dreg:$0x0];
	s2 =	stileid.u32  }
0x154: {  	s1 =	rddreg [dreg:$0x1];
	p0 =	sne.s32 s2, $0x0  }
0x155: {  	s3 =	rddreg [dreg:$0x2];
	[bflag:$0x3] =	sbarrier.arrive $0xFFFF;
	s2 =	simm.s32 @!p0 $0x1C02  }
0x156: {  	[timem:s3], [sflag:s2] =	dma.local @!p0 [hbm:s0], s1  }
0x157: {  	s0 =	simm.s32 @!p0 $0x2  }
0x158: {  	_ =	swait.ge @!p0 [sflag:s0], s1  }
0x159: {  	s1 =	ssub.s32 @!p0 $0x0, s1;
	[sflag:s0] =	ssyncset.done @!p0 $0x0  }
0x15a: {  	[sflag:s0] =	ssyncadd.s32 @!p0 s1  }
0x15b: {  	[bflag:$0x3] =	sbarrier.arrive $0xFFFF  }
0x15c: {  	_ =	shalt  }

</sc_bundles>
